<compile_context>
chip_gen: v7x
topology: tpu7x:2x2x1
jax: 0.10.2.dev20260603
libtpu: 0.0.44.dev20260713+nightly
codegen_flags: <defaults>
</compile_context>

<pallas_src>
import functools

import jax
import jax.numpy as jnp
from jax import lax
from jax.experimental import pallas as pl
from jax.experimental.pallas import tpu as pltpu
from jax.experimental.pallas import tpu_sc as plsc

N = 10000
E = 320000
DIM = 128
G = 128
L_LAYERS = 3

NC = 2
NS = 16
NW = NC * NS
EDGES_PER_TILE = E // NW
CHUNK = 80
NCHUNK = EDGES_PER_TILE // CHUNK
ROWS_PER_TILE = 624
ROWS_TAIL = N - NS * ROWS_PER_TILE

ROW_BLK = 2000
NBLK = N // ROW_BLK


def _sc_aggregate(h, src_r, dst_r):
    mesh = plsc.VectorSubcoreMesh(core_axis_name="c", subcore_axis_name="s")

    @functools.partial(
        pl.kernel,
        out_type=jax.ShapeDtypeStruct((NC, N, DIM), jnp.float32),
        mesh=mesh,
        scratch_types=[
            pltpu.VMEM((EDGES_PER_TILE,), jnp.int32),
            pltpu.VMEM((NCHUNK, CHUNK), jnp.int32),
            pltpu.VMEM((2, CHUNK, DIM), jnp.float32),
            pltpu.VMEM_SHARED((N, DIM), jnp.float32),
            pltpu.SemaphoreType.DMA,
            pltpu.SemaphoreType.DMA,
        ],
    )
    def agg_kernel(h_hbm, src_hbm, dst_hbm, out_hbm, src_v, dst_v, gbuf, acc,
                   sem0, sem1):
        cid = lax.axis_index("c")
        sid = lax.axis_index("s")
        wid = sid * NC + cid

        pltpu.sync_copy(src_hbm.at[wid], src_v)
        pltpu.sync_copy(dst_hbm.at[wid], dst_v)
        row0 = sid * ROWS_PER_TILE
        pltpu.sync_copy(h_hbm.at[pl.ds(row0, ROWS_PER_TILE)],
                        acc.at[pl.ds(row0, ROWS_PER_TILE)])

        @pl.when(sid == NS - 1)
        def _():
            pltpu.sync_copy(h_hbm.at[pl.ds(NS * ROWS_PER_TILE, ROWS_TAIL)],
                            acc.at[pl.ds(NS * ROWS_PER_TILE, ROWS_TAIL)])

        plsc.subcore_barrier()

        def src_at(j):
            return src_v.at[pl.ds(j * CHUNK, CHUNK)]

        pltpu.async_copy(h_hbm.at[src_at(0)], gbuf.at[0], sem0)

        def body(i, carry):
            j = 2 * i
            pltpu.async_copy(h_hbm.at[src_at(j + 1)], gbuf.at[1], sem1)
            pltpu.make_async_copy(h_hbm.at[src_at(j)], gbuf.at[0],
                                  sem0).wait()
            pltpu.sync_copy(gbuf.at[0], acc.at[dst_v.at[j]], add=True)
            pltpu.async_copy(h_hbm.at[src_at(j + 2)], gbuf.at[0], sem0)
            pltpu.make_async_copy(h_hbm.at[src_at(j + 1)], gbuf.at[1],
                                  sem1).wait()
            pltpu.sync_copy(gbuf.at[1], acc.at[dst_v.at[j + 1]], add=True)
            return carry

        lax.fori_loop(0, (NCHUNK - 1) // 2, body, 0)
        pltpu.make_async_copy(h_hbm.at[src_at(NCHUNK - 1)], gbuf.at[0],
                              sem0).wait()
        pltpu.sync_copy(gbuf.at[0], acc.at[dst_v.at[NCHUNK - 1]], add=True)
        plsc.subcore_barrier()
        pltpu.sync_copy(acc.at[pl.ds(row0, ROWS_PER_TILE)],
                        out_hbm.at[cid, pl.ds(row0, ROWS_PER_TILE)])

        @pl.when(sid == NS - 1)
        def _():
            pltpu.sync_copy(acc.at[pl.ds(NS * ROWS_PER_TILE, ROWS_TAIL)],
                            out_hbm.at[cid, pl.ds(NS * ROWS_PER_TILE, ROWS_TAIL)])

    return agg_kernel(h, src_r, dst_r)


def _tc_mlp_pool(p, h, batch_col, W1, b1, W2, b2, layer, xcat=None,
                 poolcat=None):
    last = layer == L_LAYERS - 1

    def body(*refs):
        if last:
            (p_ref, h_ref, batch_ref, w1_ref, b1_ref, w2_ref, b2_ref,
             _xin_ref, _pin_ref, xcat_ref, pool_ref, acc_ref, cnt_ref) = refs
            hout_ref = None
        elif layer == 0:
            (p_ref, h_ref, batch_ref, w1_ref, b1_ref, w2_ref, b2_ref,
             hout_ref, xcat_ref, pool_ref, acc_ref, cnt_ref) = refs
        else:
            (p_ref, h_ref, batch_ref, w1_ref, b1_ref, w2_ref, b2_ref,
             _xin_ref, _pin_ref, hout_ref, xcat_ref, pool_ref, acc_ref,
             cnt_ref) = refs
        i = pl.program_id(0)
        z = p_ref[0] + p_ref[1] - h_ref[...]
        a = jnp.maximum(
            jnp.dot(z, w1_ref[...], preferred_element_type=jnp.float32)
            + b1_ref[...], 0.0)
        hn = jnp.maximum(
            jnp.dot(a, w2_ref[...], preferred_element_type=jnp.float32)
            + b2_ref[...], 0.0)
        if hout_ref is not None:
            hout_ref[...] = hn
        xcat_ref[...] = hn

        onehot = (batch_ref[...] ==
                  lax.broadcasted_iota(jnp.int32, (ROW_BLK, G), 1)
                  ).astype(jnp.float32)
        pT = lax.dot_general(onehot, hn, (((0,), (0,)), ((), ())),
                             preferred_element_type=jnp.float32)
        c = lax.dot_general(onehot, jnp.ones((ROW_BLK, 1), jnp.float32),
                            (((0,), (0,)), ((), ())),
                            preferred_element_type=jnp.float32)

        @pl.when(i == 0)
        def _():
            acc_ref[...] = pT
            cnt_ref[...] = c

        @pl.when(i > 0)
        def _():
            acc_ref[...] += pT
            cnt_ref[...] += c

        @pl.when(i == NBLK - 1)
        def _():
            pool_ref[...] = acc_ref[...] / jnp.maximum(cnt_ref[...], 1.0)

    in_specs = [
        pl.BlockSpec((NC, ROW_BLK, DIM), lambda i: (0, i, 0)),
        pl.BlockSpec((ROW_BLK, DIM), lambda i: (i, 0)),
        pl.BlockSpec((ROW_BLK, 1), lambda i: (i, 0)),
        pl.BlockSpec((DIM, DIM), lambda i: (0, 0)),
        pl.BlockSpec((1, DIM), lambda i: (0, 0)),
        pl.BlockSpec((DIM, DIM), lambda i: (0, 0)),
        pl.BlockSpec((1, DIM), lambda i: (0, 0)),
    ]
    args = [p, h, batch_col, W1, b1, W2, b2]
    xcat_spec = pl.BlockSpec((ROW_BLK, DIM), lambda i, _l=layer: (i, _l))
    hout_spec = pl.BlockSpec((ROW_BLK, DIM), lambda i: (i, 0))
    pool_spec = pl.BlockSpec((G, DIM), lambda i, _l=layer: (0, _l))
    xcat_shape = jax.ShapeDtypeStruct((N, L_LAYERS * DIM), jnp.float32)
    hout_shape = jax.ShapeDtypeStruct((N, DIM), jnp.float32)
    pool_shape = jax.ShapeDtypeStruct((G, L_LAYERS * DIM), jnp.float32)
    io_aliases = {}
    if layer == 0:
        out_specs = [hout_spec, xcat_spec, pool_spec]
        out_shape = [hout_shape, xcat_shape, pool_shape]
    else:
        in_specs.append(pl.BlockSpec(memory_space=pl.ANY))
        args.append(xcat)
        in_specs.append(pl.BlockSpec(memory_space=pl.ANY))
        args.append(poolcat)
        if last:
            out_specs = [xcat_spec, pool_spec]
            out_shape = [xcat_shape, pool_shape]
            io_aliases = {7: 0, 8: 1}
        else:
            out_specs = [hout_spec, xcat_spec, pool_spec]
            out_shape = [hout_shape, xcat_shape, pool_shape]
            io_aliases = {7: 1, 8: 2}

    out = pl.pallas_call(
        body,
        grid=(NBLK,),
        in_specs=in_specs,
        out_specs=out_specs,
        out_shape=out_shape,
        scratch_shapes=[
            pltpu.VMEM((G, DIM), jnp.float32),
            pltpu.VMEM((G, 1), jnp.float32),
        ],
        input_output_aliases=io_aliases,
    )(*args)
    if last:
        return None, out[0], out[1]
    return out[0], out[1], out[2]


def kernel(x, edge_index, batch, W1_0, b1_0, W2_0, b2_0, W1_1, b1_1, W2_1,
           b2_1, W1_2, b1_2, W2_2, b2_2):
    src_r = edge_index[0].reshape(NW, NCHUNK * CHUNK)
    dst_r = edge_index[1].reshape(NW, NCHUNK, CHUNK)
    batch_col = batch.reshape(N, 1)
    params = [(W1_0, b1_0.reshape(1, DIM), W2_0, b2_0.reshape(1, DIM)),
              (W1_1, b1_1.reshape(1, DIM), W2_1, b2_1.reshape(1, DIM)),
              (W1_2, b1_2.reshape(1, DIM), W2_2, b2_2.reshape(1, DIM))]

    h = x
    xcat = None
    poolcat = None
    for layer, (W1, b1, W2, b2) in enumerate(params):
        p = _sc_aggregate(h, src_r, dst_r)
        h, xcat, poolcat = _tc_mlp_pool(p, h, batch_col, W1, b1, W2, b2,
                                        layer, xcat, poolcat)
    return (poolcat, xcat)

# --- scband reference (transcript-rebuilt; emitter-appended) ---
"""Pipeline reference for scband-encoder-gin-22101901705749 (READ-ONLY COPY).

The authoritative reference and input builder live on the scoring server;
editing this copy changes nothing except your own understanding.
"""

import jax, jax.numpy as jnp
import numpy as np

N = 10000
E = 320000
DIM = 128
NUM_GRAPHS = 128
L = 3

def setup_inputs(seed: int = 0):
    key = jax.random.key(seed)
    ks = jax.random.split(key, 16)
    inp = {}
    inp['x'] = jax.random.normal(ks[0], (N, DIM), dtype=jnp.float32)
    inp['edge_index'] = jax.random.randint(ks[1], (2, E), 0, N, dtype=jnp.int32)
    inp['batch'] = jnp.sort(jax.random.randint(ks[2], (N,), 0, NUM_GRAPHS, dtype=jnp.int32))
    s = 1.0 / np.sqrt(DIM)
    for l in range(L):
        inp['W1_%d' % l] = jax.random.uniform(ks[3 + 4 * l], (DIM, DIM), minval=-s, maxval=s, dtype=jnp.float32)
        inp['b1_%d' % l] = jax.random.uniform(ks[4 + 4 * l], (DIM,), minval=-s, maxval=s, dtype=jnp.float32)
        inp['W2_%d' % l] = jax.random.uniform(ks[5 + 4 * l], (DIM, DIM), minval=-s, maxval=s, dtype=jnp.float32)
        inp['b2_%d' % l] = jax.random.uniform(ks[6 + 4 * l], (DIM,), minval=-s, maxval=s, dtype=jnp.float32)
    return inp

def reference(x, edge_index, batch, W1_0, b1_0, W2_0, b2_0, W1_1, b1_1, W2_1, b2_1, W1_2, b1_2, W2_2, b2_2):
    src = edge_index[0]
    dst = edge_index[1]
    params = [(W1_0, b1_0, W2_0, b2_0), (W1_1, b1_1, W2_1, b2_1), (W1_2, b1_2, W2_2, b2_2)]
    h = x
    xs = []
    for (W1, b1, W2, b2) in params:
        # GINConv (eps=0): h_i' = MLP( sum_{j in N(i)} h_j + h_i )
        agg = jnp.zeros_like(h).at[dst].add(h[src])
        z = agg + h
        z = jnp.maximum(z @ W1 + b1, 0.0)
        z = z @ W2 + b2
        h = jnp.maximum(z, 0.0)  # F.relu after conv
        xs.append(h)
    counts = jax.ops.segment_sum(jnp.ones((N,), dtype=x.dtype), batch, num_segments=NUM_GRAPHS)
    counts = jnp.maximum(counts, 1.0)
    pools = [jax.ops.segment_sum(t, batch, num_segments=NUM_GRAPHS) / counts[:, None] for t in xs]
    return (jnp.concatenate(pools, axis=1), jnp.concatenate(xs, axis=1))

if __name__ == "__main__":
    import jax
    _d = setup_inputs()
    print(jax.jit(kernel)(*tuple(_d.values())))

</pallas_src>

<mosaic_0001>
#map = affine_map<(d0, d1) -> (0, 0)>
#map1 = affine_map<(d0, d1) -> (0, 0, 0)>
module attributes {stable_mosaic.version = 14 : i64} {
  func.func @agg_kernel(%arg0: i32, %arg1: i32, %arg2: memref<10000x128xf32, #tpu.memory_space<hbm>>, %arg3: memref<32x10000xi32, #tpu.memory_space<hbm>>, %arg4: memref<32x125x80xi32, #tpu.memory_space<hbm>>, %arg5: memref<2x10000x128xf32, #tpu.memory_space<hbm>>, %arg6: memref<10000xi32, #tpu.memory_space<vmem>>, %arg7: memref<125x80xi32, #tpu.memory_space<vmem>>, %arg8: memref<2x80x128xf32, #tpu.memory_space<vmem>>, %arg9: memref<10000x128xf32, #tpu.memory_space<vmem_shared>>, %arg10: memref<!tpu.dma_semaphore, #tpu.memory_space<semaphore_mem>>, %arg11: memref<!tpu.dma_semaphore, #tpu.memory_space<semaphore_mem>>) attributes {dimension_semantics = [#tpu.dimension_semantics<core_parallel>, #tpu.dimension_semantics<subcore_parallel>], iteration_bounds = array<i64: 2, 16>, scalar_prefetch = 0 : i64, scratch_operands = 6 : i64, tpu.core_type = #tpu.core_type<sc_vector_subcore>, window_params = [{transform_indices = #map}, {transform_indices = #map}, {transform_indices = #map1}, {transform_indices = #map1}]} {
    %mul3A = arith.constant 2 : i32
    %mul3A_0 = arith.muli %arg1, %mul3A : i32
    %add3A = arith.addi %mul3A_0, %arg0 : i32
    "tpu.region"() ({
      %run_scoped3A_35 = tpu.sem_alloc : memref<!tpu.dma_semaphore, #tpu.memory_space<semaphore_mem>>
      %dma_start3A_36 = arith.constant 0 : i32
      %dma_start3A_37 = tpu.memref_slice %arg3[%add3A, %dma_start3A_36] : memref<32x10000xi32, #tpu.memory_space<hbm>> -> memref<1x10000xi32, #tpu.memory_space<hbm>>
      %dma_start3A_38 = tpu.memref_squeeze %dma_start3A_37 : memref<1x10000xi32, #tpu.memory_space<hbm>> -> memref<10000xi32, #tpu.memory_space<hbm>>
      %dma_start3A_39 = arith.constant 0 : i32
      %dma_start3A_40 = tpu.memref_slice %arg3[%add3A, %dma_start3A_39] : memref<32x10000xi32, #tpu.memory_space<hbm>> -> memref<1x10000xi32, #tpu.memory_space<hbm>>
      %dma_start3A_41 = tpu.memref_squeeze %dma_start3A_40 : memref<1x10000xi32, #tpu.memory_space<hbm>> -> memref<10000xi32, #tpu.memory_space<hbm>>
      tpu.enqueue_dma source(%dma_start3A_41 : memref<10000xi32, #tpu.memory_space<hbm>>) target(%arg6 : memref<10000xi32, #tpu.memory_space<vmem>>) target_semaphore(%run_scoped3A_35 : memref<!tpu.dma_semaphore, #tpu.memory_space<semaphore_mem>>)
      %dma_wait3A_42 = arith.constant 0 : i32
      %dma_wait3A_43 = tpu.memref_slice %arg3[%add3A, %dma_wait3A_42] : memref<32x10000xi32, #tpu.memory_space<hbm>> -> memref<1x10000xi32, #tpu.memory_space<hbm>>
      %dma_wait3A_44 = tpu.memref_squeeze %dma_wait3A_43 : memref<1x10000xi32, #tpu.memory_space<hbm>> -> memref<10000xi32, #tpu.memory_space<hbm>>
      %dma_wait3A_45 = arith.constant 0 : i32
      %dma_wait3A_46 = tpu.memref_slice %arg3[%add3A, %dma_wait3A_45] : memref<32x10000xi32, #tpu.memory_space<hbm>> -> memref<1x10000xi32, #tpu.memory_space<hbm>>
      %dma_wait3A_47 = tpu.memref_squeeze %dma_wait3A_46 : memref<1x10000xi32, #tpu.memory_space<hbm>> -> memref<10000xi32, #tpu.memory_space<hbm>>
      tpu.wait_dma2 semaphore(%run_scoped3A_35 : memref<!tpu.dma_semaphore, #tpu.memory_space<semaphore_mem>>) src(%dma_wait3A_47 : memref<10000xi32, #tpu.memory_space<hbm>>) dst(%arg6 : memref<10000xi32, #tpu.memory_space<vmem>>)
      tpu.yield
    }) : () -> ()
    "tpu.region"() ({
      %run_scoped3A_35 = tpu.sem_alloc : memref<!tpu.dma_semaphore, #tpu.memory_space<semaphore_mem>>
      %dma_start3A_36 = arith.constant 0 : i32
      %dma_start3A_37 = arith.constant 0 : i32
      %dma_start3A_38 = tpu.memref_slice %arg4[%add3A, %dma_start3A_36, %dma_start3A_37] : memref<32x125x80xi32, #tpu.memory_space<hbm>> -> memref<1x125x80xi32, #tpu.memory_space<hbm>>
      %dma_start3A_39 = tpu.memref_squeeze %dma_start3A_38 : memref<1x125x80xi32, #tpu.memory_space<hbm>> -> memref<125x80xi32, #tpu.memory_space<hbm>>
      %dma_start3A_40 = arith.constant 0 : i32
      %dma_start3A_41 = arith.constant 0 : i32
      %dma_start3A_42 = tpu.memref_slice %arg4[%add3A, %dma_start3A_40, %dma_start3A_41] : memref<32x125x80xi32, #tpu.memory_space<hbm>> -> memref<1x125x80xi32, #tpu.memory_space<hbm>>
      %dma_start3A_43 = tpu.memref_squeeze %dma_start3A_42 : memref<1x125x80xi32, #tpu.memory_space<hbm>> -> memref<125x80xi32, #tpu.memory_space<hbm>>
      tpu.enqueue_dma source(%dma_start3A_43 : memref<125x80xi32, #tpu.memory_space<hbm>>) target(%arg7 : memref<125x80xi32, #tpu.memory_space<vmem>>) target_semaphore(%run_scoped3A_35 : memref<!tpu.dma_semaphore, #tpu.memory_space<semaphore_mem>>)
      %dma_wait3A_44 = arith.constant 0 : i32
      %dma_wait3A_45 = arith.constant 0 : i32
      %dma_wait3A_46 = tpu.memref_slice %arg4[%add3A, %dma_wait3A_44, %dma_wait3A_45] : memref<32x125x80xi32, #tpu.memory_space<hbm>> -> memref<1x125x80xi32, #tpu.memory_space<hbm>>
      %dma_wait3A_47 = tpu.memref_squeeze %dma_wait3A_46 : memref<1x125x80xi32, #tpu.memory_space<hbm>> -> memref<125x80xi32, #tpu.memory_space<hbm>>
      %dma_wait3A_48 = arith.constant 0 : i32
      %dma_wait3A_49 = arith.constant 0 : i32
      %dma_wait3A_50 = tpu.memref_slice %arg4[%add3A, %dma_wait3A_48, %dma_wait3A_49] : memref<32x125x80xi32, #tpu.memory_space<hbm>> -> memref<1x125x80xi32, #tpu.memory_space<hbm>>
      %dma_wait3A_51 = tpu.memref_squeeze %dma_wait3A_50 : memref<1x125x80xi32, #tpu.memory_space<hbm>> -> memref<125x80xi32, #tpu.memory_space<hbm>>
      tpu.wait_dma2 semaphore(%run_scoped3A_35 : memref<!tpu.dma_semaphore, #tpu.memory_space<semaphore_mem>>) src(%dma_wait3A_51 : memref<125x80xi32, #tpu.memory_space<hbm>>) dst(%arg7 : memref<125x80xi32, #tpu.memory_space<vmem>>)
      tpu.yield
    }) : () -> ()
    %mul3A_1 = arith.constant 624 : i32
    %mul3A_2 = arith.muli %arg1, %mul3A_1 : i32
    "tpu.region"() ({
      %run_scoped3A_35 = tpu.sem_alloc : memref<!tpu.dma_semaphore, #tpu.memory_space<semaphore_mem>>
      %dma_start3A_36 = arith.constant 0 : i32
      %dma_start3A_37 = tpu.memref_slice %arg9[%mul3A_2, %dma_start3A_36] : memref<10000x128xf32, #tpu.memory_space<vmem_shared>> -> memref<624x128xf32, #tpu.memory_space<vmem_shared>>
      %dma_start3A_38 = arith.constant 0 : i32
      %dma_start3A_39 = tpu.memref_slice %arg2[%mul3A_2, %dma_start3A_38] : memref<10000x128xf32, #tpu.memory_space<hbm>> -> memref<624x128xf32, #tpu.memory_space<hbm>>
      tpu.enqueue_dma source(%dma_start3A_39 : memref<624x128xf32, #tpu.memory_space<hbm>>) target(%dma_start3A_37 : memref<624x128xf32, #tpu.memory_space<vmem_shared>>) target_semaphore(%run_scoped3A_35 : memref<!tpu.dma_semaphore, #tpu.memory_space<semaphore_mem>>)
      %dma_wait3A_40 = arith.constant 0 : i32
      %dma_wait3A_41 = tpu.memref_slice %arg9[%mul3A_2, %dma_wait3A_40] : memref<10000x128xf32, #tpu.memory_space<vmem_shared>> -> memref<624x128xf32, #tpu.memory_space<vmem_shared>>
      %dma_wait3A_42 = arith.constant 0 : i32
      %dma_wait3A_43 = tpu.memref_slice %arg2[%mul3A_2, %dma_wait3A_42] : memref<10000x128xf32, #tpu.memory_space<hbm>> -> memref<624x128xf32, #tpu.memory_space<hbm>>
      tpu.wait_dma2 semaphore(%run_scoped3A_35 : memref<!tpu.dma_semaphore, #tpu.memory_space<semaphore_mem>>) src(%dma_wait3A_43 : memref<624x128xf32, #tpu.memory_space<hbm>>) dst(%dma_wait3A_41 : memref<624x128xf32, #tpu.memory_space<vmem_shared>>)
      tpu.yield
    }) : () -> ()
    %eq3A = arith.constant 15 : i32
    %eq3A_3 = arith.cmpi eq, %arg1, %eq3A : i32
    %convert_element_type3A = arith.extui %eq3A_3 : i1 to i32
    %cond3A = arith.constant 0 : i32
    %cond3A_4 = arith.cmpi ne, %convert_element_type3A, %cond3A : i32
    scf.if %cond3A_4 {
      "tpu.region"() ({
        %run_scoped3A_35 = tpu.sem_alloc : memref<!tpu.dma_semaphore, #tpu.memory_space<semaphore_mem>>
        %dma_start3A_36 = arith.constant 9984 : i32
        %dma_start3A_37 = arith.constant 0 : i32
        %dma_start3A_38 = tpu.memref_slice %arg9[%dma_start3A_36, %dma_start3A_37] : memref<10000x128xf32, #tpu.memory_space<vmem_shared>> -> memref<16x128xf32, #tpu.memory_space<vmem_shared>>
        %dma_start3A_39 = arith.constant 9984 : i32
        %dma_start3A_40 = arith.constant 0 : i32
        %dma_start3A_41 = tpu.memref_slice %arg2[%dma_start3A_39, %dma_start3A_40] : memref<10000x128xf32, #tpu.memory_space<hbm>> -> memref<16x128xf32, #tpu.memory_space<hbm>>
        tpu.enqueue_dma source(%dma_start3A_41 : memref<16x128xf32, #tpu.memory_space<hbm>>) target(%dma_start3A_38 : memref<16x128xf32, #tpu.memory_space<vmem_shared>>) target_semaphore(%run_scoped3A_35 : memref<!tpu.dma_semaphore, #tpu.memory_space<semaphore_mem>>)
        %dma_wait3A_42 = arith.constant 9984 : i32
        %dma_wait3A_43 = arith.constant 0 : i32
        %dma_wait3A_44 = tpu.memref_slice %arg9[%dma_wait3A_42, %dma_wait3A_43] : memref<10000x128xf32, #tpu.memory_space<vmem_shared>> -> memref<16x128xf32, #tpu.memory_space<vmem_shared>>
        %dma_wait3A_45 = arith.constant 9984 : i32
        %dma_wait3A_46 = arith.constant 0 : i32
        %dma_wait3A_47 = tpu.memref_slice %arg2[%dma_wait3A_45, %dma_wait3A_46] : memref<10000x128xf32, #tpu.memory_space<hbm>> -> memref<16x128xf32, #tpu.memory_space<hbm>>
        tpu.wait_dma2 semaphore(%run_scoped3A_35 : memref<!tpu.dma_semaphore, #tpu.memory_space<semaphore_mem>>) src(%dma_wait3A_47 : memref<16x128xf32, #tpu.memory_space<hbm>>) dst(%dma_wait3A_44 : memref<16x128xf32, #tpu.memory_space<vmem_shared>>)
        tpu.yield
      }) : () -> ()
    } else {
    }
    %barrier3A = arith.constant 0 : index
    tpu.barrier barrier_id(%barrier3A)
    %dma_start3A = arith.constant 0 : i32
    %dma_start3A_5 = arith.constant 0 : i32
    %dma_start3A_6 = arith.constant 0 : i32
    %dma_start3A_7 = tpu.memref_slice %arg8[%dma_start3A, %dma_start3A_5, %dma_start3A_6] : memref<2x80x128xf32, #tpu.memory_space<vmem>> -> memref<1x80x128xf32, #tpu.memory_space<vmem>>
    %dma_start3A_8 = tpu.memref_squeeze %dma_start3A_7 : memref<1x80x128xf32, #tpu.memory_space<vmem>> -> memref<80x128xf32, #tpu.memory_space<vmem>>
    %dma_start3A_9 = arith.constant 0 : i32
    %dma_start3A_10 = tpu.memref_slice %arg6[%dma_start3A_9] : memref<10000xi32, #tpu.memory_space<vmem>> -> memref<80xi32, #tpu.memory_space<vmem>>
    %dma_start3A_11 = arith.constant 0 : i32
    %dma_start3A_12 = arith.constant 0 : i32
    %dma_start3A_13 = tpu.memref_slice %arg2[%dma_start3A_11, %dma_start3A_12] : memref<10000x128xf32, #tpu.memory_space<hbm>> -> memref<10000x128xf32, #tpu.memory_space<hbm>>
    tpu.enqueue_indirect_dma source(%dma_start3A_13 : memref<10000x128xf32, #tpu.memory_space<hbm>>) target(%dma_start3A_8 : memref<80x128xf32, #tpu.memory_space<vmem>>) offsets(%dma_start3A_10 : memref<80xi32, #tpu.memory_space<vmem>>) semaphore(%arg10 : memref<!tpu.dma_semaphore, #tpu.memory_space<semaphore_mem>>)
    %scan3A = arith.constant 0 : i32
    %scan3A_14 = arith.constant 0 : i32
    %scan3A_15 = arith.constant 62 : i32
    %scan3A_16 = arith.addi %scan3A_14, %scan3A_15 : i32
    %scan3A_17 = arith.constant 1 : i32
    scf.for %scan3A_35 = %scan3A_14 to %scan3A_16 step %scan3A_17  : i32 {
      %mul3A_36 = arith.constant 2 : i32
      %mul3A_37 = arith.muli %mul3A_36, %scan3A_35 : i32
      %add3A_38 = arith.constant 1 : i32
      %add3A_39 = arith.addi %mul3A_37, %add3A_38 : i32
      %mul3A_40 = arith.constant 80 : i32
      %mul3A_41 = arith.muli %add3A_39, %mul3A_40 : i32
      %dma_start3A_42 = arith.constant 1 : i32
      %dma_start3A_43 = arith.constant 0 : i32
      %dma_start3A_44 = arith.constant 0 : i32
      %dma_start3A_45 = tpu.memref_slice %arg8[%dma_start3A_42, %dma_start3A_43, %dma_start3A_44] : memref<2x80x128xf32, #tpu.memory_space<vmem>> -> memref<1x80x128xf32, #tpu.memory_space<vmem>>
      %dma_start3A_46 = tpu.memref_squeeze %dma_start3A_45 : memref<1x80x128xf32, #tpu.memory_space<vmem>> -> memref<80x128xf32, #tpu.memory_space<vmem>>
      %dma_start3A_47 = tpu.memref_slice %arg6[%mul3A_41] : memref<10000xi32, #tpu.memory_space<vmem>> -> memref<80xi32, #tpu.memory_space<vmem>>
      %dma_start3A_48 = arith.constant 0 : i32
      %dma_start3A_49 = arith.constant 0 : i32
      %dma_start3A_50 = tpu.memref_slice %arg2[%dma_start3A_48, %dma_start3A_49] : memref<10000x128xf32, #tpu.memory_space<hbm>> -> memref<10000x128xf32, #tpu.memory_space<hbm>>
      tpu.enqueue_indirect_dma source(%dma_start3A_50 : memref<10000x128xf32, #tpu.memory_space<hbm>>) target(%dma_start3A_46 : memref<80x128xf32, #tpu.memory_space<vmem>>) offsets(%dma_start3A_47 : memref<80xi32, #tpu.memory_space<vmem>>) semaphore(%arg11 : memref<!tpu.dma_semaphore, #tpu.memory_space<semaphore_mem>>)
      %mul3A_51 = arith.constant 80 : i32
      %mul3A_52 = arith.muli %mul3A_37, %mul3A_51 : i32
      %dma_wait3A_53 = arith.constant 0 : i32
      %dma_wait3A_54 = arith.constant 0 : i32
      %dma_wait3A_55 = arith.constant 0 : i32
      %dma_wait3A_56 = tpu.memref_slice %arg8[%dma_wait3A_53, %dma_wait3A_54, %dma_wait3A_55] : memref<2x80x128xf32, #tpu.memory_space<vmem>> -> memref<1x80x128xf32, #tpu.memory_space<vmem>>
      %dma_wait3A_57 = tpu.memref_squeeze %dma_wait3A_56 : memref<1x80x128xf32, #tpu.memory_space<vmem>> -> memref<80x128xf32, #tpu.memory_space<vmem>>
      %dma_wait3A_58 = tpu.memref_slice %arg6[%mul3A_52] : memref<10000xi32, #tpu.memory_space<vmem>> -> memref<80xi32, #tpu.memory_space<vmem>>
      %dma_wait3A_59 = arith.constant 0 : i32
      %dma_wait3A_60 = arith.constant 0 : i32
      %dma_wait3A_61 = tpu.memref_slice %arg2[%dma_wait3A_59, %dma_wait3A_60] : memref<10000x128xf32, #tpu.memory_space<hbm>> -> memref<10000x128xf32, #tpu.memory_space<hbm>>
      tpu.wait_indirect_dma semaphore(%arg10 : memref<!tpu.dma_semaphore, #tpu.memory_space<semaphore_mem>>) src(%dma_wait3A_61 : memref<10000x128xf32, #tpu.memory_space<hbm>>) dst(%dma_wait3A_57 : memref<80x128xf32, #tpu.memory_space<vmem>>)
      %run_scoped3A_62 = arith.constant 0 : i32
      "tpu.region"() ({
        %run_scoped3A_92 = tpu.sem_alloc : memref<!tpu.dma_semaphore, #tpu.memory_space<semaphore_mem>>
        %dma_start3A_93 = arith.constant 0 : i32
        %dma_start3A_94 = arith.constant 0 : i32
        %dma_start3A_95 = tpu.memref_slice %arg8[%run_scoped3A_62, %dma_start3A_93, %dma_start3A_94] : memref<2x80x128xf32, #tpu.memory_space<vmem>> -> memref<1x80x128xf32, #tpu.memory_space<vmem>>
        %dma_start3A_96 = tpu.memref_squeeze %dma_start3A_95 : memref<1x80x128xf32, #tpu.memory_space<vmem>> -> memref<80x128xf32, #tpu.memory_space<vmem>>
        %dma_start3A_97 = arith.constant 0 : i32
        %dma_start3A_98 = tpu.memref_slice %arg7[%mul3A_37, %dma_start3A_97] : memref<125x80xi32, #tpu.memory_space<vmem>> -> memref<1x80xi32, #tpu.memory_space<vmem>>
        %dma_start3A_99 = tpu.memref_squeeze %dma_start3A_98 : memref<1x80xi32, #tpu.memory_space<vmem>> -> memref<80xi32, #tpu.memory_space<vmem>>
        %dma_start3A_100 = arith.constant 0 : i32
        %dma_start3A_101 = arith.constant 0 : i32
        %dma_start3A_102 = tpu.memref_slice %arg9[%dma_start3A_100, %dma_start3A_101] : memref<10000x128xf32, #tpu.memory_space<vmem_shared>> -> memref<10000x128xf32, #tpu.memory_space<vmem_shared>>
        tpu.enqueue_indirect_dma source(%dma_start3A_96 : memref<80x128xf32, #tpu.memory_space<vmem>>) target(%dma_start3A_102 : memref<10000x128xf32, #tpu.memory_space<vmem_shared>>) offsets(%dma_start3A_99 : memref<80xi32, #tpu.memory_space<vmem>>) semaphore(%run_scoped3A_92 : memref<!tpu.dma_semaphore, #tpu.memory_space<semaphore_mem>>) {add = true}
        %dma_wait3A_103 = arith.constant 0 : i32
        %dma_wait3A_104 = arith.constant 0 : i32
        %dma_wait3A_105 = tpu.memref_slice %arg8[%run_scoped3A_62, %dma_wait3A_103, %dma_wait3A_104] : memref<2x80x128xf32, #tpu.memory_space<vmem>> -> memref<1x80x128xf32, #tpu.memory_space<vmem>>
        %dma_wait3A_106 = tpu.memref_squeeze %dma_wait3A_105 : memref<1x80x128xf32, #tpu.memory_space<vmem>> -> memref<80x128xf32, #tpu.memory_space<vmem>>
        %dma_wait3A_107 = arith.constant 0 : i32
        %dma_wait3A_108 = tpu.memref_slice %arg7[%mul3A_37, %dma_wait3A_107] : memref<125x80xi32, #tpu.memory_space<vmem>> -> memref<1x80xi32, #tpu.memory_space<vmem>>
        %dma_wait3A_109 = tpu.memref_squeeze %dma_wait3A_108 : memref<1x80xi32, #tpu.memory_space<vmem>> -> memref<80xi32, #tpu.memory_space<vmem>>
        %dma_wait3A_110 = arith.constant 0 : i32
        %dma_wait3A_111 = arith.constant 0 : i32
        %dma_wait3A_112 = tpu.memref_slice %arg9[%dma_wait3A_110, %dma_wait3A_111] : memref<10000x128xf32, #tpu.memory_space<vmem_shared>> -> memref<10000x128xf32, #tpu.memory_space<vmem_shared>>
        tpu.wait_indirect_dma semaphore(%run_scoped3A_92 : memref<!tpu.dma_semaphore, #tpu.memory_space<semaphore_mem>>) src(%dma_wait3A_106 : memref<80x128xf32, #tpu.memory_space<vmem>>) dst(%dma_wait3A_112 : memref<10000x128xf32, #tpu.memory_space<vmem_shared>>)
        tpu.yield
      }) : () -> ()
      %add3A_63 = arith.constant 2 : i32
      %add3A_64 = arith.addi %mul3A_37, %add3A_63 : i32
      %mul3A_65 = arith.constant 80 : i32
      %mul3A_66 = arith.muli %add3A_64, %mul3A_65 : i32
      %dma_start3A_67 = arith.constant 0 : i32
      %dma_start3A_68 = arith.constant 0 : i32
      %dma_start3A_69 = arith.constant 0 : i32
      %dma_start3A_70 = tpu.memref_slice %arg8[%dma_start3A_67, %dma_start3A_68, %dma_start3A_69] : memref<2x80x128xf32, #tpu.memory_space<vmem>> -> memref<1x80x128xf32, #tpu.memory_space<vmem>>
      %dma_start3A_71 = tpu.memref_squeeze %dma_start3A_70 : memref<1x80x128xf32, #tpu.memory_space<vmem>> -> memref<80x128xf32, #tpu.memory_space<vmem>>
      %dma_start3A_72 = tpu.memref_slice %arg6[%mul3A_66] : memref<10000xi32, #tpu.memory_space<vmem>> -> memref<80xi32, #tpu.memory_space<vmem>>
      %dma_start3A_73 = arith.constant 0 : i32
      %dma_start3A_74 = arith.constant 0 : i32
      %dma_start3A_75 = tpu.memref_slice %arg2[%dma_start3A_73, %dma_start3A_74] : memref<10000x128xf32, #tpu.memory_space<hbm>> -> memref<10000x128xf32, #tpu.memory_space<hbm>>
      tpu.enqueue_indirect_dma source(%dma_start3A_75 : memref<10000x128xf32, #tpu.memory_space<hbm>>) target(%dma_start3A_71 : memref<80x128xf32, #tpu.memory_space<vmem>>) offsets(%dma_start3A_72 : memref<80xi32, #tpu.memory_space<vmem>>) semaphore(%arg10 : memref<!tpu.dma_semaphore, #tpu.memory_space<semaphore_mem>>)
      %add3A_76 = arith.constant 1 : i32
      %add3A_77 = arith.addi %mul3A_37, %add3A_76 : i32
      %mul3A_78 = arith.constant 80 : i32
      %mul3A_79 = arith.muli %add3A_77, %mul3A_78 : i32
      %dma_wait3A_80 = arith.constant 1 : i32
      %dma_wait3A_81 = arith.constant 0 : i32
      %dma_wait3A_82 = arith.constant 0 : i32
      %dma_wait3A_83 = tpu.memref_slice %arg8[%dma_wait3A_80, %dma_wait3A_81, %dma_wait3A_82] : memref<2x80x128xf32, #tpu.memory_space<vmem>> -> memref<1x80x128xf32, #tpu.memory_space<vmem>>
      %dma_wait3A_84 = tpu.memref_squeeze %dma_wait3A_83 : memref<1x80x128xf32, #tpu.memory_space<vmem>> -> memref<80x128xf32, #tpu.memory_space<vmem>>
      %dma_wait3A_85 = tpu.memref_slice %arg6[%mul3A_79] : memref<10000xi32, #tpu.memory_space<vmem>> -> memref<80xi32, #tpu.memory_space<vmem>>
      %dma_wait3A_86 = arith.constant 0 : i32
      %dma_wait3A_87 = arith.constant 0 : i32
      %dma_wait3A_88 = tpu.memref_slice %arg2[%dma_wait3A_86, %dma_wait3A_87] : memref<10000x128xf32, #tpu.memory_space<hbm>> -> memref<10000x128xf32, #tpu.memory_space<hbm>>
      tpu.wait_indirect_dma semaphore(%arg11 : memref<!tpu.dma_semaphore, #tpu.memory_space<semaphore_mem>>) src(%dma_wait3A_88 : memref<10000x128xf32, #tpu.memory_space<hbm>>) dst(%dma_wait3A_84 : memref<80x128xf32, #tpu.memory_space<vmem>>)
      %add3A_89 = arith.constant 1 : i32
      %add3A_90 = arith.addi %mul3A_37, %add3A_89 : i32
      %run_scoped3A_91 = arith.constant 1 : i32
      "tpu.region"() ({
        %run_scoped3A_92 = tpu.sem_alloc : memref<!tpu.dma_semaphore, #tpu.memory_space<semaphore_mem>>
        %dma_start3A_93 = arith.constant 0 : i32
        %dma_start3A_94 = arith.constant 0 : i32
        %dma_start3A_95 = tpu.memref_slice %arg8[%run_scoped3A_91, %dma_start3A_93, %dma_start3A_94] : memref<2x80x128xf32, #tpu.memory_space<vmem>> -> memref<1x80x128xf32, #tpu.memory_space<vmem>>
        %dma_start3A_96 = tpu.memref_squeeze %dma_start3A_95 : memref<1x80x128xf32, #tpu.memory_space<vmem>> -> memref<80x128xf32, #tpu.memory_space<vmem>>
        %dma_start3A_97 = arith.constant 0 : i32
        %dma_start3A_98 = tpu.memref_slice %arg7[%add3A_90, %dma_start3A_97] : memref<125x80xi32, #tpu.memory_space<vmem>> -> memref<1x80xi32, #tpu.memory_space<vmem>>
        %dma_start3A_99 = tpu.memref_squeeze %dma_start3A_98 : memref<1x80xi32, #tpu.memory_space<vmem>> -> memref<80xi32, #tpu.memory_space<vmem>>
        %dma_start3A_100 = arith.constant 0 : i32
        %dma_start3A_101 = arith.constant 0 : i32
        %dma_start3A_102 = tpu.memref_slice %arg9[%dma_start3A_100, %dma_start3A_101] : memref<10000x128xf32, #tpu.memory_space<vmem_shared>> -> memref<10000x128xf32, #tpu.memory_space<vmem_shared>>
        tpu.enqueue_indirect_dma source(%dma_start3A_96 : memref<80x128xf32, #tpu.memory_space<vmem>>) target(%dma_start3A_102 : memref<10000x128xf32, #tpu.memory_space<vmem_shared>>) offsets(%dma_start3A_99 : memref<80xi32, #tpu.memory_space<vmem>>) semaphore(%run_scoped3A_92 : memref<!tpu.dma_semaphore, #tpu.memory_space<semaphore_mem>>) {add = true}
        %dma_wait3A_103 = arith.constant 0 : i32
        %dma_wait3A_104 = arith.constant 0 : i32
        %dma_wait3A_105 = tpu.memref_slice %arg8[%run_scoped3A_91, %dma_wait3A_103, %dma_wait3A_104] : memref<2x80x128xf32, #tpu.memory_space<vmem>> -> memref<1x80x128xf32, #tpu.memory_space<vmem>>
        %dma_wait3A_106 = tpu.memref_squeeze %dma_wait3A_105 : memref<1x80x128xf32, #tpu.memory_space<vmem>> -> memref<80x128xf32, #tpu.memory_space<vmem>>
        %dma_wait3A_107 = arith.constant 0 : i32
        %dma_wait3A_108 = tpu.memref_slice %arg7[%add3A_90, %dma_wait3A_107] : memref<125x80xi32, #tpu.memory_space<vmem>> -> memref<1x80xi32, #tpu.memory_space<vmem>>
        %dma_wait3A_109 = tpu.memref_squeeze %dma_wait3A_108 : memref<1x80xi32, #tpu.memory_space<vmem>> -> memref<80xi32, #tpu.memory_space<vmem>>
        %dma_wait3A_110 = arith.constant 0 : i32
        %dma_wait3A_111 = arith.constant 0 : i32
        %dma_wait3A_112 = tpu.memref_slice %arg9[%dma_wait3A_110, %dma_wait3A_111] : memref<10000x128xf32, #tpu.memory_space<vmem_shared>> -> memref<10000x128xf32, #tpu.memory_space<vmem_shared>>
        tpu.wait_indirect_dma semaphore(%run_scoped3A_92 : memref<!tpu.dma_semaphore, #tpu.memory_space<semaphore_mem>>) src(%dma_wait3A_106 : memref<80x128xf32, #tpu.memory_space<vmem>>) dst(%dma_wait3A_112 : memref<10000x128xf32, #tpu.memory_space<vmem_shared>>)
        tpu.yield
      }) : () -> ()
    }
    %scan3A_18 = arith.constant 62 : i32
    %dma_wait3A = arith.constant 0 : i32
    %dma_wait3A_19 = arith.constant 0 : i32
    %dma_wait3A_20 = arith.constant 0 : i32
    %dma_wait3A_21 = tpu.memref_slice %arg8[%dma_wait3A, %dma_wait3A_19, %dma_wait3A_20] : memref<2x80x128xf32, #tpu.memory_space<vmem>> -> memref<1x80x128xf32, #tpu.memory_space<vmem>>
    %dma_wait3A_22 = tpu.memref_squeeze %dma_wait3A_21 : memref<1x80x128xf32, #tpu.memory_space<vmem>> -> memref<80x128xf32, #tpu.memory_space<vmem>>
    %dma_wait3A_23 = arith.constant 9920 : i32
    %dma_wait3A_24 = tpu.memref_slice %arg6[%dma_wait3A_23] : memref<10000xi32, #tpu.memory_space<vmem>> -> memref<80xi32, #tpu.memory_space<vmem>>
    %dma_wait3A_25 = arith.constant 0 : i32
    %dma_wait3A_26 = arith.constant 0 : i32
    %dma_wait3A_27 = tpu.memref_slice %arg2[%dma_wait3A_25, %dma_wait3A_26] : memref<10000x128xf32, #tpu.memory_space<hbm>> -> memref<10000x128xf32, #tpu.memory_space<hbm>>
    tpu.wait_indirect_dma semaphore(%arg10 : memref<!tpu.dma_semaphore, #tpu.memory_space<semaphore_mem>>) src(%dma_wait3A_27 : memref<10000x128xf32, #tpu.memory_space<hbm>>) dst(%dma_wait3A_22 : memref<80x128xf32, #tpu.memory_space<vmem>>)
    %run_scoped3A = arith.constant 0 : i32
    %run_scoped3A_28 = arith.constant 124 : i32
    "tpu.region"() ({
      %run_scoped3A_35 = tpu.sem_alloc : memref<!tpu.dma_semaphore, #tpu.memory_space<semaphore_mem>>
      %dma_start3A_36 = arith.constant 0 : i32
      %dma_start3A_37 = arith.constant 0 : i32
      %dma_start3A_38 = tpu.memref_slice %arg8[%run_scoped3A, %dma_start3A_36, %dma_start3A_37] : memref<2x80x128xf32, #tpu.memory_space<vmem>> -> memref<1x80x128xf32, #tpu.memory_space<vmem>>
      %dma_start3A_39 = tpu.memref_squeeze %dma_start3A_38 : memref<1x80x128xf32, #tpu.memory_space<vmem>> -> memref<80x128xf32, #tpu.memory_space<vmem>>
      %dma_start3A_40 = arith.constant 0 : i32
      %dma_start3A_41 = tpu.memref_slice %arg7[%run_scoped3A_28, %dma_start3A_40] : memref<125x80xi32, #tpu.memory_space<vmem>> -> memref<1x80xi32, #tpu.memory_space<vmem>>
      %dma_start3A_42 = tpu.memref_squeeze %dma_start3A_41 : memref<1x80xi32, #tpu.memory_space<vmem>> -> memref<80xi32, #tpu.memory_space<vmem>>
      %dma_start3A_43 = arith.constant 0 : i32
      %dma_start3A_44 = arith.constant 0 : i32
      %dma_start3A_45 = tpu.memref_slice %arg9[%dma_start3A_43, %dma_start3A_44] : memref<10000x128xf32, #tpu.memory_space<vmem_shared>> -> memref<10000x128xf32, #tpu.memory_space<vmem_shared>>
      tpu.enqueue_indirect_dma source(%dma_start3A_39 : memref<80x128xf32, #tpu.memory_space<vmem>>) target(%dma_start3A_45 : memref<10000x128xf32, #tpu.memory_space<vmem_shared>>) offsets(%dma_start3A_42 : memref<80xi32, #tpu.memory_space<vmem>>) semaphore(%run_scoped3A_35 : memref<!tpu.dma_semaphore, #tpu.memory_space<semaphore_mem>>) {add = true}
      %dma_wait3A_46 = arith.constant 0 : i32
      %dma_wait3A_47 = arith.constant 0 : i32
      %dma_wait3A_48 = tpu.memref_slice %arg8[%run_scoped3A, %dma_wait3A_46, %dma_wait3A_47] : memref<2x80x128xf32, #tpu.memory_space<vmem>> -> memref<1x80x128xf32, #tpu.memory_space<vmem>>
      %dma_wait3A_49 = tpu.memref_squeeze %dma_wait3A_48 : memref<1x80x128xf32, #tpu.memory_space<vmem>> -> memref<80x128xf32, #tpu.memory_space<vmem>>
      %dma_wait3A_50 = arith.constant 0 : i32
      %dma_wait3A_51 = tpu.memref_slice %arg7[%run_scoped3A_28, %dma_wait3A_50] : memref<125x80xi32, #tpu.memory_space<vmem>> -> memref<1x80xi32, #tpu.memory_space<vmem>>
      %dma_wait3A_52 = tpu.memref_squeeze %dma_wait3A_51 : memref<1x80xi32, #tpu.memory_space<vmem>> -> memref<80xi32, #tpu.memory_space<vmem>>
      %dma_wait3A_53 = arith.constant 0 : i32
      %dma_wait3A_54 = arith.constant 0 : i32
      %dma_wait3A_55 = tpu.memref_slice %arg9[%dma_wait3A_53, %dma_wait3A_54] : memref<10000x128xf32, #tpu.memory_space<vmem_shared>> -> memref<10000x128xf32, #tpu.memory_space<vmem_shared>>
      tpu.wait_indirect_dma semaphore(%run_scoped3A_35 : memref<!tpu.dma_semaphore, #tpu.memory_space<semaphore_mem>>) src(%dma_wait3A_49 : memref<80x128xf32, #tpu.memory_space<vmem>>) dst(%dma_wait3A_55 : memref<10000x128xf32, #tpu.memory_space<vmem_shared>>)
      tpu.yield
    }) : () -> ()
    %barrier3A_29 = arith.constant 0 : index
    tpu.barrier barrier_id(%barrier3A_29)
    "tpu.region"() ({
      %run_scoped3A_35 = tpu.sem_alloc : memref<!tpu.dma_semaphore, #tpu.memory_space<semaphore_mem>>
      %dma_start3A_36 = arith.constant 0 : i32
      %dma_start3A_37 = tpu.memref_slice %arg5[%arg0, %mul3A_2, %dma_start3A_36] : memref<2x10000x128xf32, #tpu.memory_space<hbm>> -> memref<1x624x128xf32, #tpu.memory_space<hbm>>
      %dma_start3A_38 = tpu.memref_squeeze %dma_start3A_37 : memref<1x624x128xf32, #tpu.memory_space<hbm>> -> memref<624x128xf32, #tpu.memory_space<hbm>>
      %dma_start3A_39 = arith.constant 0 : i32
      %dma_start3A_40 = tpu.memref_slice %arg9[%mul3A_2, %dma_start3A_39] : memref<10000x128xf32, #tpu.memory_space<vmem_shared>> -> memref<624x128xf32, #tpu.memory_space<vmem_shared>>
      tpu.enqueue_dma source(%dma_start3A_40 : memref<624x128xf32, #tpu.memory_space<vmem_shared>>) target(%dma_start3A_38 : memref<624x128xf32, #tpu.memory_space<hbm>>) target_semaphore(%run_scoped3A_35 : memref<!tpu.dma_semaphore, #tpu.memory_space<semaphore_mem>>)
      %dma_wait3A_41 = arith.constant 0 : i32
      %dma_wait3A_42 = tpu.memref_slice %arg5[%arg0, %mul3A_2, %dma_wait3A_41] : memref<2x10000x128xf32, #tpu.memory_space<hbm>> -> memref<1x624x128xf32, #tpu.memory_space<hbm>>
      %dma_wait3A_43 = tpu.memref_squeeze %dma_wait3A_42 : memref<1x624x128xf32, #tpu.memory_space<hbm>> -> memref<624x128xf32, #tpu.memory_space<hbm>>
      %dma_wait3A_44 = arith.constant 0 : i32
      %dma_wait3A_45 = tpu.memref_slice %arg9[%mul3A_2, %dma_wait3A_44] : memref<10000x128xf32, #tpu.memory_space<vmem_shared>> -> memref<624x128xf32, #tpu.memory_space<vmem_shared>>
      tpu.wait_dma2 semaphore(%run_scoped3A_35 : memref<!tpu.dma_semaphore, #tpu.memory_space<semaphore_mem>>) src(%dma_wait3A_45 : memref<624x128xf32, #tpu.memory_space<vmem_shared>>) dst(%dma_wait3A_43 : memref<624x128xf32, #tpu.memory_space<hbm>>)
      tpu.yield
    }) : () -> ()
    %eq3A_30 = arith.constant 15 : i32
    %eq3A_31 = arith.cmpi eq, %arg1, %eq3A_30 : i32
    %convert_element_type3A_32 = arith.extui %eq3A_31 : i1 to i32
    %cond3A_33 = arith.constant 0 : i32
    %cond3A_34 = arith.cmpi ne, %convert_element_type3A_32, %cond3A_33 : i32
    scf.if %cond3A_34 {
      "tpu.region"() ({
        %run_scoped3A_35 = tpu.sem_alloc : memref<!tpu.dma_semaphore, #tpu.memory_space<semaphore_mem>>
        %dma_start3A_36 = arith.constant 9984 : i32
        %dma_start3A_37 = arith.constant 0 : i32
        %dma_start3A_38 = tpu.memref_slice %arg5[%arg0, %dma_start3A_36, %dma_start3A_37] : memref<2x10000x128xf32, #tpu.memory_space<hbm>> -> memref<1x16x128xf32, #tpu.memory_space<hbm>>
        %dma_start3A_39 = tpu.memref_squeeze %dma_start3A_38 : memref<1x16x128xf32, #tpu.memory_space<hbm>> -> memref<16x128xf32, #tpu.memory_space<hbm>>
        %dma_start3A_40 = arith.constant 9984 : i32
        %dma_start3A_41 = arith.constant 0 : i32
        %dma_start3A_42 = tpu.memref_slice %arg9[%dma_start3A_40, %dma_start3A_41] : memref<10000x128xf32, #tpu.memory_space<vmem_shared>> -> memref<16x128xf32, #tpu.memory_space<vmem_shared>>
        tpu.enqueue_dma source(%dma_start3A_42 : memref<16x128xf32, #tpu.memory_space<vmem_shared>>) target(%dma_start3A_39 : memref<16x128xf32, #tpu.memory_space<hbm>>) target_semaphore(%run_scoped3A_35 : memref<!tpu.dma_semaphore, #tpu.memory_space<semaphore_mem>>)
        %dma_wait3A_43 = arith.constant 9984 : i32
        %dma_wait3A_44 = arith.constant 0 : i32
        %dma_wait3A_45 = tpu.memref_slice %arg5[%arg0, %dma_wait3A_43, %dma_wait3A_44] : memref<2x10000x128xf32, #tpu.memory_space<hbm>> -> memref<1x16x128xf32, #tpu.memory_space<hbm>>
        %dma_wait3A_46 = tpu.memref_squeeze %dma_wait3A_45 : memref<1x16x128xf32, #tpu.memory_space<hbm>> -> memref<16x128xf32, #tpu.memory_space<hbm>>
        %dma_wait3A_47 = arith.constant 9984 : i32
        %dma_wait3A_48 = arith.constant 0 : i32
        %dma_wait3A_49 = tpu.memref_slice %arg9[%dma_wait3A_47, %dma_wait3A_48] : memref<10000x128xf32, #tpu.memory_space<vmem_shared>> -> memref<16x128xf32, #tpu.memory_space<vmem_shared>>
        tpu.wait_dma2 semaphore(%run_scoped3A_35 : memref<!tpu.dma_semaphore, #tpu.memory_space<semaphore_mem>>) src(%dma_wait3A_49 : memref<16x128xf32, #tpu.memory_space<vmem_shared>>) dst(%dma_wait3A_46 : memref<16x128xf32, #tpu.memory_space<hbm>>)
        tpu.yield
      }) : () -> ()
    } else {
    }
    return
  }
}

#map = affine_map<(d0, d1) -> (0, 0)>
#map1 = affine_map<(d0, d1) -> (0, 0, 0)>
module attributes {stable_mosaic.version = 14 : i64} {
  func.func @agg_kernel(%arg0: i32, %arg1: i32, %arg2: memref<10000x128xf32, #tpu.memory_space<hbm>>, %arg3: memref<32x10000xi32, #tpu.memory_space<hbm>>, %arg4: memref<32x125x80xi32, #tpu.memory_space<hbm>>, %arg5: memref<2x10000x128xf32, #tpu.memory_space<hbm>>, %arg6: memref<10000xi32, #tpu.memory_space<vmem>>, %arg7: memref<125x80xi32, #tpu.memory_space<vmem>>, %arg8: memref<2x80x128xf32, #tpu.memory_space<vmem>>, %arg9: memref<10000x128xf32, #tpu.memory_space<vmem_shared>>, %arg10: memref<!tpu.dma_semaphore, #tpu.memory_space<semaphore_mem>>, %arg11: memref<!tpu.dma_semaphore, #tpu.memory_space<semaphore_mem>>) attributes {dimension_semantics = [#tpu.dimension_semantics<core_parallel>, #tpu.dimension_semantics<subcore_parallel>], iteration_bounds = array<i64: 2, 16>, scalar_prefetch = 0 : i64, scratch_operands = 6 : i64, tpu.core_type = #tpu.core_type<sc_vector_subcore>, window_params = [{transform_indices = #map}, {transform_indices = #map}, {transform_indices = #map1}, {transform_indices = #map1}]} {
    %mul3A = arith.constant 2 : i32
    %mul3A_0 = arith.muli %arg1, %mul3A : i32
    %add3A = arith.addi %mul3A_0, %arg0 : i32
    "tpu.region"() ({
      %run_scoped3A_35 = tpu.sem_alloc : memref<!tpu.dma_semaphore, #tpu.memory_space<semaphore_mem>>
      %dma_start3A_36 = arith.constant 0 : i32
      %dma_start3A_37 = tpu.memref_slice %arg3[%add3A, %dma_start3A_36] : memref<32x10000xi32, #tpu.memory_space<hbm>> -> memref<1x10000xi32, #tpu.memory_space<hbm>>
      %dma_start3A_38 = tpu.memref_squeeze %dma_start3A_37 : memref<1x10000xi32, #tpu.memory_space<hbm>> -> memref<10000xi32, #tpu.memory_space<hbm>>
      %dma_start3A_39 = arith.constant 0 : i32
      %dma_start3A_40 = tpu.memref_slice %arg3[%add3A, %dma_start3A_39] : memref<32x10000xi32, #tpu.memory_space<hbm>> -> memref<1x10000xi32, #tpu.memory_space<hbm>>
      %dma_start3A_41 = tpu.memref_squeeze %dma_start3A_40 : memref<1x10000xi32, #tpu.memory_space<hbm>> -> memref<10000xi32, #tpu.memory_space<hbm>>
      tpu.enqueue_dma source(%dma_start3A_41 : memref<10000xi32, #tpu.memory_space<hbm>>) target(%arg6 : memref<10000xi32, #tpu.memory_space<vmem>>) target_semaphore(%run_scoped3A_35 : memref<!tpu.dma_semaphore, #tpu.memory_space<semaphore_mem>>)
      %dma_wait3A_42 = arith.constant 0 : i32
      %dma_wait3A_43 = tpu.memref_slice %arg3[%add3A, %dma_wait3A_42] : memref<32x10000xi32, #tpu.memory_space<hbm>> -> memref<1x10000xi32, #tpu.memory_space<hbm>>
      %dma_wait3A_44 = tpu.memref_squeeze %dma_wait3A_43 : memref<1x10000xi32, #tpu.memory_space<hbm>> -> memref<10000xi32, #tpu.memory_space<hbm>>
      %dma_wait3A_45 = arith.constant 0 : i32
      %dma_wait3A_46 = tpu.memref_slice %arg3[%add3A, %dma_wait3A_45] : memref<32x10000xi32, #tpu.memory_space<hbm>> -> memref<1x10000xi32, #tpu.memory_space<hbm>>
      %dma_wait3A_47 = tpu.memref_squeeze %dma_wait3A_46 : memref<1x10000xi32, #tpu.memory_space<hbm>> -> memref<10000xi32, #tpu.memory_space<hbm>>
      tpu.wait_dma2 semaphore(%run_scoped3A_35 : memref<!tpu.dma_semaphore, #tpu.memory_space<semaphore_mem>>) src(%dma_wait3A_47 : memref<10000xi32, #tpu.memory_space<hbm>>) dst(%arg6 : memref<10000xi32, #tpu.memory_space<vmem>>)
      tpu.yield
    }) : () -> ()
    "tpu.region"() ({
      %run_scoped3A_35 = tpu.sem_alloc : memref<!tpu.dma_semaphore, #tpu.memory_space<semaphore_mem>>
      %dma_start3A_36 = arith.constant 0 : i32
      %dma_start3A_37 = arith.constant 0 : i32
      %dma_start3A_38 = tpu.memref_slice %arg4[%add3A, %dma_start3A_36, %dma_start3A_37] : memref<32x125x80xi32, #tpu.memory_space<hbm>> -> memref<1x125x80xi32, #tpu.memory_space<hbm>>
      %dma_start3A_39 = tpu.memref_squeeze %dma_start3A_38 : memref<1x125x80xi32, #tpu.memory_space<hbm>> -> memref<125x80xi32, #tpu.memory_space<hbm>>
      %dma_start3A_40 = arith.constant 0 : i32
      %dma_start3A_41 = arith.constant 0 : i32
      %dma_start3A_42 = tpu.memref_slice %arg4[%add3A, %dma_start3A_40, %dma_start3A_41] : memref<32x125x80xi32, #tpu.memory_space<hbm>> -> memref<1x125x80xi32, #tpu.memory_space<hbm>>
      %dma_start3A_43 = tpu.memref_squeeze %dma_start3A_42 : memref<1x125x80xi32, #tpu.memory_space<hbm>> -> memref<125x80xi32, #tpu.memory_space<hbm>>
      tpu.enqueue_dma source(%dma_start3A_43 : memref<125x80xi32, #tpu.memory_space<hbm>>) target(%arg7 : memref<125x80xi32, #tpu.memory_space<vmem>>) target_semaphore(%run_scoped3A_35 : memref<!tpu.dma_semaphore, #tpu.memory_space<semaphore_mem>>)
      %dma_wait3A_44 = arith.constant 0 : i32
      %dma_wait3A_45 = arith.constant 0 : i32
      %dma_wait3A_46 = tpu.memref_slice %arg4[%add3A, %dma_wait3A_44, %dma_wait3A_45] : memref<32x125x80xi32, #tpu.memory_space<hbm>> -> memref<1x125x80xi32, #tpu.memory_space<hbm>>
      %dma_wait3A_47 = tpu.memref_squeeze %dma_wait3A_46 : memref<1x125x80xi32, #tpu.memory_space<hbm>> -> memref<125x80xi32, #tpu.memory_space<hbm>>
      %dma_wait3A_48 = arith.constant 0 : i32
      %dma_wait3A_49 = arith.constant 0 : i32
      %dma_wait3A_50 = tpu.memref_slice %arg4[%add3A, %dma_wait3A_48, %dma_wait3A_49] : memref<32x125x80xi32, #tpu.memory_space<hbm>> -> memref<1x125x80xi32, #tpu.memory_space<hbm>>
      %dma_wait3A_51 = tpu.memref_squeeze %dma_wait3A_50 : memref<1x125x80xi32, #tpu.memory_space<hbm>> -> memref<125x80xi32, #tpu.memory_space<hbm>>
      tpu.wait_dma2 semaphore(%run_scoped3A_35 : memref<!tpu.dma_semaphore, #tpu.memory_space<semaphore_mem>>) src(%dma_wait3A_51 : memref<125x80xi32, #tpu.memory_space<hbm>>) dst(%arg7 : memref<125x80xi32, #tpu.memory_space<vmem>>)
      tpu.yield
    }) : () -> ()
    %mul3A_1 = arith.constant 624 : i32
    %mul3A_2 = arith.muli %arg1, %mul3A_1 : i32
    "tpu.region"() ({
      %run_scoped3A_35 = tpu.sem_alloc : memref<!tpu.dma_semaphore, #tpu.memory_space<semaphore_mem>>
      %dma_start3A_36 = arith.constant 0 : i32
      %dma_start3A_37 = tpu.memref_slice %arg9[%mul3A_2, %dma_start3A_36] : memref<10000x128xf32, #tpu.memory_space<vmem_shared>> -> memref<624x128xf32, #tpu.memory_space<vmem_shared>>
      %dma_start3A_38 = arith.constant 0 : i32
      %dma_start3A_39 = tpu.memref_slice %arg2[%mul3A_2, %dma_start3A_38] : memref<10000x128xf32, #tpu.memory_space<hbm>> -> memref<624x128xf32, #tpu.memory_space<hbm>>
      tpu.enqueue_dma source(%dma_start3A_39 : memref<624x128xf32, #tpu.memory_space<hbm>>) target(%dma_start3A_37 : memref<624x128xf32, #tpu.memory_space<vmem_shared>>) target_semaphore(%run_scoped3A_35 : memref<!tpu.dma_semaphore, #tpu.memory_space<semaphore_mem>>)
      %dma_wait3A_40 = arith.constant 0 : i32
      %dma_wait3A_41 = tpu.memref_slice %arg9[%mul3A_2, %dma_wait3A_40] : memref<10000x128xf32, #tpu.memory_space<vmem_shared>> -> memref<624x128xf32, #tpu.memory_space<vmem_shared>>
      %dma_wait3A_42 = arith.constant 0 : i32
      %dma_wait3A_43 = tpu.memref_slice %arg2[%mul3A_2, %dma_wait3A_42] : memref<10000x128xf32, #tpu.memory_space<hbm>> -> memref<624x128xf32, #tpu.memory_space<hbm>>
      tpu.wait_dma2 semaphore(%run_scoped3A_35 : memref<!tpu.dma_semaphore, #tpu.memory_space<semaphore_mem>>) src(%dma_wait3A_43 : memref<624x128xf32, #tpu.memory_space<hbm>>) dst(%dma_wait3A_41 : memref<624x128xf32, #tpu.memory_space<vmem_shared>>)
      tpu.yield
    }) : () -> ()
    %eq3A = arith.constant 15 : i32
    %eq3A_3 = arith.cmpi eq, %arg1, %eq3A : i32
    %convert_element_type3A = arith.extui %eq3A_3 : i1 to i32
    %cond3A = arith.constant 0 : i32
    %cond3A_4 = arith.cmpi ne, %convert_element_type3A, %cond3A : i32
    scf.if %cond3A_4 {
      "tpu.region"() ({
        %run_scoped3A_35 = tpu.sem_alloc : memref<!tpu.dma_semaphore, #tpu.memory_space<semaphore_mem>>
        %dma_start3A_36 = arith.constant 9984 : i32
        %dma_start3A_37 = arith.constant 0 : i32
        %dma_start3A_38 = tpu.memref_slice %arg9[%dma_start3A_36, %dma_start3A_37] : memref<10000x128xf32, #tpu.memory_space<vmem_shared>> -> memref<16x128xf32, #tpu.memory_space<vmem_shared>>
        %dma_start3A_39 = arith.constant 9984 : i32
        %dma_start3A_40 = arith.constant 0 : i32
        %dma_start3A_41 = tpu.memref_slice %arg2[%dma_start3A_39, %dma_start3A_40] : memref<10000x128xf32, #tpu.memory_space<hbm>> -> memref<16x128xf32, #tpu.memory_space<hbm>>
        tpu.enqueue_dma source(%dma_start3A_41 : memref<16x128xf32, #tpu.memory_space<hbm>>) target(%dma_start3A_38 : memref<16x128xf32, #tpu.memory_space<vmem_shared>>) target_semaphore(%run_scoped3A_35 : memref<!tpu.dma_semaphore, #tpu.memory_space<semaphore_mem>>)
        %dma_wait3A_42 = arith.constant 9984 : i32
        %dma_wait3A_43 = arith.constant 0 : i32
        %dma_wait3A_44 = tpu.memref_slice %arg9[%dma_wait3A_42, %dma_wait3A_43] : memref<10000x128xf32, #tpu.memory_space<vmem_shared>> -> memref<16x128xf32, #tpu.memory_space<vmem_shared>>
        %dma_wait3A_45 = arith.constant 9984 : i32
        %dma_wait3A_46 = arith.constant 0 : i32
        %dma_wait3A_47 = tpu.memref_slice %arg2[%dma_wait3A_45, %dma_wait3A_46] : memref<10000x128xf32, #tpu.memory_space<hbm>> -> memref<16x128xf32, #tpu.memory_space<hbm>>
        tpu.wait_dma2 semaphore(%run_scoped3A_35 : memref<!tpu.dma_semaphore, #tpu.memory_space<semaphore_mem>>) src(%dma_wait3A_47 : memref<16x128xf32, #tpu.memory_space<hbm>>) dst(%dma_wait3A_44 : memref<16x128xf32, #tpu.memory_space<vmem_shared>>)
        tpu.yield
      }) : () -> ()
    } else {
    }
    %barrier3A = arith.constant 0 : index
    tpu.barrier barrier_id(%barrier3A)
    %dma_start3A = arith.constant 0 : i32
    %dma_start3A_5 = arith.constant 0 : i32
    %dma_start3A_6 = arith.constant 0 : i32
    %dma_start3A_7 = tpu.memref_slice %arg8[%dma_start3A, %dma_start3A_5, %dma_start3A_6] : memref<2x80x128xf32, #tpu.memory_space<vmem>> -> memref<1x80x128xf32, #tpu.memory_space<vmem>>
    %dma_start3A_8 = tpu.memref_squeeze %dma_start3A_7 : memref<1x80x128xf32, #tpu.memory_space<vmem>> -> memref<80x128xf32, #tpu.memory_space<vmem>>
    %dma_start3A_9 = arith.constant 0 : i32
    %dma_start3A_10 = tpu.memref_slice %arg6[%dma_start3A_9] : memref<10000xi32, #tpu.memory_space<vmem>> -> memref<80xi32, #tpu.memory_space<vmem>>
    %dma_start3A_11 = arith.constant 0 : i32
    %dma_start3A_12 = arith.constant 0 : i32
    %dma_start3A_13 = tpu.memref_slice %arg2[%dma_start3A_11, %dma_start3A_12] : memref<10000x128xf32, #tpu.memory_space<hbm>> -> memref<10000x128xf32, #tpu.memory_space<hbm>>
    tpu.enqueue_indirect_dma source(%dma_start3A_13 : memref<10000x128xf32, #tpu.memory_space<hbm>>) target(%dma_start3A_8 : memref<80x128xf32, #tpu.memory_space<vmem>>) offsets(%dma_start3A_10 : memref<80xi32, #tpu.memory_space<vmem>>) semaphore(%arg10 : memref<!tpu.dma_semaphore, #tpu.memory_space<semaphore_mem>>)
    %scan3A = arith.constant 0 : i32
    %scan3A_14 = arith.constant 0 : i32
    %scan3A_15 = arith.constant 62 : i32
    %scan3A_16 = arith.addi %scan3A_14, %scan3A_15 : i32
    %scan3A_17 = arith.constant 1 : i32
    scf.for %scan3A_35 = %scan3A_14 to %scan3A_16 step %scan3A_17  : i32 {
      %mul3A_36 = arith.constant 2 : i32
      %mul3A_37 = arith.muli %mul3A_36, %scan3A_35 : i32
      %add3A_38 = arith.constant 1 : i32
      %add3A_39 = arith.addi %mul3A_37, %add3A_38 : i32
      %mul3A_40 = arith.constant 80 : i32
      %mul3A_41 = arith.muli %add3A_39, %mul3A_40 : i32
      %dma_start3A_42 = arith.constant 1 : i32
      %dma_start3A_43 = arith.constant 0 : i32
      %dma_start3A_44 = arith.constant 0 : i32
      %dma_start3A_45 = tpu.memref_slice %arg8[%dma_start3A_42, %dma_start3A_43, %dma_start3A_44] : memref<2x80x128xf32, #tpu.memory_space<vmem>> -> memref<1x80x128xf32, #tpu.memory_space<vmem>>
      %dma_start3A_46 = tpu.memref_squeeze %dma_start3A_45 : memref<1x80x128xf32, #tpu.memory_space<vmem>> -> memref<80x128xf32, #tpu.memory_space<vmem>>
      %dma_start3A_47 = tpu.memref_slice %arg6[%mul3A_41] : memref<10000xi32, #tpu.memory_space<vmem>> -> memref<80xi32, #tpu.memory_space<vmem>>
      %dma_start3A_48 = arith.constant 0 : i32
      %dma_start3A_49 = arith.constant 0 : i32
      %dma_start3A_50 = tpu.memref_slice %arg2[%dma_start3A_48, %dma_start3A_49] : memref<10000x128xf32, #tpu.memory_space<hbm>> -> memref<10000x128xf32, #tpu.memory_space<hbm>>
      tpu.enqueue_indirect_dma source(%dma_start3A_50 : memref<10000x128xf32, #tpu.memory_space<hbm>>) target(%dma_start3A_46 : memref<80x128xf32, #tpu.memory_space<vmem>>) offsets(%dma_start3A_47 : memref<80xi32, #tpu.memory_space<vmem>>) semaphore(%arg11 : memref<!tpu.dma_semaphore, #tpu.memory_space<semaphore_mem>>)
      %mul3A_51 = arith.constant 80 : i32
      %mul3A_52 = arith.muli %mul3A_37, %mul3A_51 : i32
      %dma_wait3A_53 = arith.constant 0 : i32
      %dma_wait3A_54 = arith.constant 0 : i32
      %dma_wait3A_55 = arith.constant 0 : i32
      %dma_wait3A_56 = tpu.memref_slice %arg8[%dma_wait3A_53, %dma_wait3A_54, %dma_wait3A_55] : memref<2x80x128xf32, #tpu.memory_space<vmem>> -> memref<1x80x128xf32, #tpu.memory_space<vmem>>
      %dma_wait3A_57 = tpu.memref_squeeze %dma_wait3A_56 : memref<1x80x128xf32, #tpu.memory_space<vmem>> -> memref<80x128xf32, #tpu.memory_space<vmem>>
      %dma_wait3A_58 = tpu.memref_slice %arg6[%mul3A_52] : memref<10000xi32, #tpu.memory_space<vmem>> -> memref<80xi32, #tpu.memory_space<vmem>>
      %dma_wait3A_59 = arith.constant 0 : i32
      %dma_wait3A_60 = arith.constant 0 : i32
      %dma_wait3A_61 = tpu.memref_slice %arg2[%dma_wait3A_59, %dma_wait3A_60] : memref<10000x128xf32, #tpu.memory_space<hbm>> -> memref<10000x128xf32, #tpu.memory_space<hbm>>
      tpu.wait_indirect_dma semaphore(%arg10 : memref<!tpu.dma_semaphore, #tpu.memory_space<semaphore_mem>>) src(%dma_wait3A_61 : memref<10000x128xf32, #tpu.memory_space<hbm>>) dst(%dma_wait3A_57 : memref<80x128xf32, #tpu.memory_space<vmem>>)
      %run_scoped3A_62 = arith.constant 0 : i32
      "tpu.region"() ({
        %run_scoped3A_92 = tpu.sem_alloc : memref<!tpu.dma_semaphore, #tpu.memory_space<semaphore_mem>>
        %dma_start3A_93 = arith.constant 0 : i32
        %dma_start3A_94 = arith.constant 0 : i32
        %dma_start3A_95 = tpu.memref_slice %arg8[%run_scoped3A_62, %dma_start3A_93, %dma_start3A_94] : memref<2x80x128xf32, #tpu.memory_space<vmem>> -> memref<1x80x128xf32, #tpu.memory_space<vmem>>
        %dma_start3A_96 = tpu.memref_squeeze %dma_start3A_95 : memref<1x80x128xf32, #tpu.memory_space<vmem>> -> memref<80x128xf32, #tpu.memory_space<vmem>>
        %dma_start3A_97 = arith.constant 0 : i32
        %dma_start3A_98 = tpu.memref_slice %arg7[%mul3A_37, %dma_start3A_97] : memref<125x80xi32, #tpu.memory_space<vmem>> -> memref<1x80xi32, #tpu.memory_space<vmem>>
        %dma_start3A_99 = tpu.memref_squeeze %dma_start3A_98 : memref<1x80xi32, #tpu.memory_space<vmem>> -> memref<80xi32, #tpu.memory_space<vmem>>
        %dma_start3A_100 = arith.constant 0 : i32
        %dma_start3A_101 = arith.constant 0 : i32
        %dma_start3A_102 = tpu.memref_slice %arg9[%dma_start3A_100, %dma_start3A_101] : memref<10000x128xf32, #tpu.memory_space<vmem_shared>> -> memref<10000x128xf32, #tpu.memory_space<vmem_shared>>
        tpu.enqueue_indirect_dma source(%dma_start3A_96 : memref<80x128xf32, #tpu.memory_space<vmem>>) target(%dma_start3A_102 : memref<10000x128xf32, #tpu.memory_space<vmem_shared>>) offsets(%dma_start3A_99 : memref<80xi32, #tpu.memory_space<vmem>>) semaphore(%run_scoped3A_92 : memref<!tpu.dma_semaphore, #tpu.memory_space<semaphore_mem>>) {add = true}
        %dma_wait3A_103 = arith.constant 0 : i32
        %dma_wait3A_104 = arith.constant 0 : i32
        %dma_wait3A_105 = tpu.memref_slice %arg8[%run_scoped3A_62, %dma_wait3A_103, %dma_wait3A_104] : memref<2x80x128xf32, #tpu.memory_space<vmem>> -> memref<1x80x128xf32, #tpu.memory_space<vmem>>
        %dma_wait3A_106 = tpu.memref_squeeze %dma_wait3A_105 : memref<1x80x128xf32, #tpu.memory_space<vmem>> -> memref<80x128xf32, #tpu.memory_space<vmem>>
        %dma_wait3A_107 = arith.constant 0 : i32
        %dma_wait3A_108 = tpu.memref_slice %arg7[%mul3A_37, %dma_wait3A_107] : memref<125x80xi32, #tpu.memory_space<vmem>> -> memref<1x80xi32, #tpu.memory_space<vmem>>
        %dma_wait3A_109 = tpu.memref_squeeze %dma_wait3A_108 : memref<1x80xi32, #tpu.memory_space<vmem>> -> memref<80xi32, #tpu.memory_space<vmem>>
        %dma_wait3A_110 = arith.constant 0 : i32
        %dma_wait3A_111 = arith.constant 0 : i32
        %dma_wait3A_112 = tpu.memref_slice %arg9[%dma_wait3A_110, %dma_wait3A_111] : memref<10000x128xf32, #tpu.memory_space<vmem_shared>> -> memref<10000x128xf32, #tpu.memory_space<vmem_shared>>
        tpu.wait_indirect_dma semaphore(%run_scoped3A_92 : memref<!tpu.dma_semaphore, #tpu.memory_space<semaphore_mem>>) src(%dma_wait3A_106 : memref<80x128xf32, #tpu.memory_space<vmem>>) dst(%dma_wait3A_112 : memref<10000x128xf32, #tpu.memory_space<vmem_shared>>)
        tpu.yield
      }) : () -> ()
      %add3A_63 = arith.constant 2 : i32
      %add3A_64 = arith.addi %mul3A_37, %add3A_63 : i32
      %mul3A_65 = arith.constant 80 : i32
      %mul3A_66 = arith.muli %add3A_64, %mul3A_65 : i32
      %dma_start3A_67 = arith.constant 0 : i32
      %dma_start3A_68 = arith.constant 0 : i32
      %dma_start3A_69 = arith.constant 0 : i32
      %dma_start3A_70 = tpu.memref_slice %arg8[%dma_start3A_67, %dma_start3A_68, %dma_start3A_69] : memref<2x80x128xf32, #tpu.memory_space<vmem>> -> memref<1x80x128xf32, #tpu.memory_space<vmem>>
      %dma_start3A_71 = tpu.memref_squeeze %dma_start3A_70 : memref<1x80x128xf32, #tpu.memory_space<vmem>> -> memref<80x128xf32, #tpu.memory_space<vmem>>
      %dma_start3A_72 = tpu.memref_slice %arg6[%mul3A_66] : memref<10000xi32, #tpu.memory_space<vmem>> -> memref<80xi32, #tpu.memory_space<vmem>>
      %dma_start3A_73 = arith.constant 0 : i32
      %dma_start3A_74 = arith.constant 0 : i32
      %dma_start3A_75 = tpu.memref_slice %arg2[%dma_start3A_73, %dma_start3A_74] : memref<10000x128xf32, #tpu.memory_space<hbm>> -> memref<10000x128xf32, #tpu.memory_space<hbm>>
      tpu.enqueue_indirect_dma source(%dma_start3A_75 : memref<10000x128xf32, #tpu.memory_space<hbm>>) target(%dma_start3A_71 : memref<80x128xf32, #tpu.memory_space<vmem>>) offsets(%dma_start3A_72 : memref<80xi32, #tpu.memory_space<vmem>>) semaphore(%arg10 : memref<!tpu.dma_semaphore, #tpu.memory_space<semaphore_mem>>)
      %add3A_76 = arith.constant 1 : i32
      %add3A_77 = arith.addi %mul3A_37, %add3A_76 : i32
      %mul3A_78 = arith.constant 80 : i32
      %mul3A_79 = arith.muli %add3A_77, %mul3A_78 : i32
      %dma_wait3A_80 = arith.constant 1 : i32
      %dma_wait3A_81 = arith.constant 0 : i32
      %dma_wait3A_82 = arith.constant 0 : i32
      %dma_wait3A_83 = tpu.memref_slice %arg8[%dma_wait3A_80, %dma_wait3A_81, %dma_wait3A_82] : memref<2x80x128xf32, #tpu.memory_space<vmem>> -> memref<1x80x128xf32, #tpu.memory_space<vmem>>
      %dma_wait3A_84 = tpu.memref_squeeze %dma_wait3A_83 : memref<1x80x128xf32, #tpu.memory_space<vmem>> -> memref<80x128xf32, #tpu.memory_space<vmem>>
      %dma_wait3A_85 = tpu.memref_slice %arg6[%mul3A_79] : memref<10000xi32, #tpu.memory_space<vmem>> -> memref<80xi32, #tpu.memory_space<vmem>>
      %dma_wait3A_86 = arith.constant 0 : i32
      %dma_wait3A_87 = arith.constant 0 : i32
      %dma_wait3A_88 = tpu.memref_slice %arg2[%dma_wait3A_86, %dma_wait3A_87] : memref<10000x128xf32, #tpu.memory_space<hbm>> -> memref<10000x128xf32, #tpu.memory_space<hbm>>
      tpu.wait_indirect_dma semaphore(%arg11 : memref<!tpu.dma_semaphore, #tpu.memory_space<semaphore_mem>>) src(%dma_wait3A_88 : memref<10000x128xf32, #tpu.memory_space<hbm>>) dst(%dma_wait3A_84 : memref<80x128xf32, #tpu.memory_space<vmem>>)
      %add3A_89 = arith.constant 1 : i32
      %add3A_90 = arith.addi %mul3A_37, %add3A_89 : i32
      %run_scoped3A_91 = arith.constant 1 : i32
      "tpu.region"() ({
        %run_scoped3A_92 = tpu.sem_alloc : memref<!tpu.dma_semaphore, #tpu.memory_space<semaphore_mem>>
        %dma_start3A_93 = arith.constant 0 : i32
        %dma_start3A_94 = arith.constant 0 : i32
        %dma_start3A_95 = tpu.memref_slice %arg8[%run_scoped3A_91, %dma_start3A_93, %dma_start3A_94] : memref<2x80x128xf32, #tpu.memory_space<vmem>> -> memref<1x80x128xf32, #tpu.memory_space<vmem>>
        %dma_start3A_96 = tpu.memref_squeeze %dma_start3A_95 : memref<1x80x128xf32, #tpu.memory_space<vmem>> -> memref<80x128xf32, #tpu.memory_space<vmem>>
        %dma_start3A_97 = arith.constant 0 : i32
        %dma_start3A_98 = tpu.memref_slice %arg7[%add3A_90, %dma_start3A_97] : memref<125x80xi32, #tpu.memory_space<vmem>> -> memref<1x80xi32, #tpu.memory_space<vmem>>
        %dma_start3A_99 = tpu.memref_squeeze %dma_start3A_98 : memref<1x80xi32, #tpu.memory_space<vmem>> -> memref<80xi32, #tpu.memory_space<vmem>>
        %dma_start3A_100 = arith.constant 0 : i32
        %dma_start3A_101 = arith.constant 0 : i32
        %dma_start3A_102 = tpu.memref_slice %arg9[%dma_start3A_100, %dma_start3A_101] : memref<10000x128xf32, #tpu.memory_space<vmem_shared>> -> memref<10000x128xf32, #tpu.memory_space<vmem_shared>>
        tpu.enqueue_indirect_dma source(%dma_start3A_96 : memref<80x128xf32, #tpu.memory_space<vmem>>) target(%dma_start3A_102 : memref<10000x128xf32, #tpu.memory_space<vmem_shared>>) offsets(%dma_start3A_99 : memref<80xi32, #tpu.memory_space<vmem>>) semaphore(%run_scoped3A_92 : memref<!tpu.dma_semaphore, #tpu.memory_space<semaphore_mem>>) {add = true}
        %dma_wait3A_103 = arith.constant 0 : i32
        %dma_wait3A_104 = arith.constant 0 : i32
        %dma_wait3A_105 = tpu.memref_slice %arg8[%run_scoped3A_91, %dma_wait3A_103, %dma_wait3A_104] : memref<2x80x128xf32, #tpu.memory_space<vmem>> -> memref<1x80x128xf32, #tpu.memory_space<vmem>>
        %dma_wait3A_106 = tpu.memref_squeeze %dma_wait3A_105 : memref<1x80x128xf32, #tpu.memory_space<vmem>> -> memref<80x128xf32, #tpu.memory_space<vmem>>
        %dma_wait3A_107 = arith.constant 0 : i32
        %dma_wait3A_108 = tpu.memref_slice %arg7[%add3A_90, %dma_wait3A_107] : memref<125x80xi32, #tpu.memory_space<vmem>> -> memref<1x80xi32, #tpu.memory_space<vmem>>
        %dma_wait3A_109 = tpu.memref_squeeze %dma_wait3A_108 : memref<1x80xi32, #tpu.memory_space<vmem>> -> memref<80xi32, #tpu.memory_space<vmem>>
        %dma_wait3A_110 = arith.constant 0 : i32
        %dma_wait3A_111 = arith.constant 0 : i32
        %dma_wait3A_112 = tpu.memref_slice %arg9[%dma_wait3A_110, %dma_wait3A_111] : memref<10000x128xf32, #tpu.memory_space<vmem_shared>> -> memref<10000x128xf32, #tpu.memory_space<vmem_shared>>
        tpu.wait_indirect_dma semaphore(%run_scoped3A_92 : memref<!tpu.dma_semaphore, #tpu.memory_space<semaphore_mem>>) src(%dma_wait3A_106 : memref<80x128xf32, #tpu.memory_space<vmem>>) dst(%dma_wait3A_112 : memref<10000x128xf32, #tpu.memory_space<vmem_shared>>)
        tpu.yield
      }) : () -> ()
    }
    %scan3A_18 = arith.constant 62 : i32
    %dma_wait3A = arith.constant 0 : i32
    %dma_wait3A_19 = arith.constant 0 : i32
    %dma_wait3A_20 = arith.constant 0 : i32
    %dma_wait3A_21 = tpu.memref_slice %arg8[%dma_wait3A, %dma_wait3A_19, %dma_wait3A_20] : memref<2x80x128xf32, #tpu.memory_space<vmem>> -> memref<1x80x128xf32, #tpu.memory_space<vmem>>
    %dma_wait3A_22 = tpu.memref_squeeze %dma_wait3A_21 : memref<1x80x128xf32, #tpu.memory_space<vmem>> -> memref<80x128xf32, #tpu.memory_space<vmem>>
    %dma_wait3A_23 = arith.constant 9920 : i32
    %dma_wait3A_24 = tpu.memref_slice %arg6[%dma_wait3A_23] : memref<10000xi32, #tpu.memory_space<vmem>> -> memref<80xi32, #tpu.memory_space<vmem>>
    %dma_wait3A_25 = arith.constant 0 : i32
    %dma_wait3A_26 = arith.constant 0 : i32
    %dma_wait3A_27 = tpu.memref_slice %arg2[%dma_wait3A_25, %dma_wait3A_26] : memref<10000x128xf32, #tpu.memory_space<hbm>> -> memref<10000x128xf32, #tpu.memory_space<hbm>>
    tpu.wait_indirect_dma semaphore(%arg10 : memref<!tpu.dma_semaphore, #tpu.memory_space<semaphore_mem>>) src(%dma_wait3A_27 : memref<10000x128xf32, #tpu.memory_space<hbm>>) dst(%dma_wait3A_22 : memref<80x128xf32, #tpu.memory_space<vmem>>)
    %run_scoped3A = arith.constant 0 : i32
    %run_scoped3A_28 = arith.constant 124 : i32
    "tpu.region"() ({
      %run_scoped3A_35 = tpu.sem_alloc : memref<!tpu.dma_semaphore, #tpu.memory_space<semaphore_mem>>
      %dma_start3A_36 = arith.constant 0 : i32
      %dma_start3A_37 = arith.constant 0 : i32
      %dma_start3A_38 = tpu.memref_slice %arg8[%run_scoped3A, %dma_start3A_36, %dma_start3A_37] : memref<2x80x128xf32, #tpu.memory_space<vmem>> -> memref<1x80x128xf32, #tpu.memory_space<vmem>>
      %dma_start3A_39 = tpu.memref_squeeze %dma_start3A_38 : memref<1x80x128xf32, #tpu.memory_space<vmem>> -> memref<80x128xf32, #tpu.memory_space<vmem>>
      %dma_start3A_40 = arith.constant 0 : i32
      %dma_start3A_41 = tpu.memref_slice %arg7[%run_scoped3A_28, %dma_start3A_40] : memref<125x80xi32, #tpu.memory_space<vmem>> -> memref<1x80xi32, #tpu.memory_space<vmem>>
      %dma_start3A_42 = tpu.memref_squeeze %dma_start3A_41 : memref<1x80xi32, #tpu.memory_space<vmem>> -> memref<80xi32, #tpu.memory_space<vmem>>
      %dma_start3A_43 = arith.constant 0 : i32
      %dma_start3A_44 = arith.constant 0 : i32
      %dma_start3A_45 = tpu.memref_slice %arg9[%dma_start3A_43, %dma_start3A_44] : memref<10000x128xf32, #tpu.memory_space<vmem_shared>> -> memref<10000x128xf32, #tpu.memory_space<vmem_shared>>
      tpu.enqueue_indirect_dma source(%dma_start3A_39 : memref<80x128xf32, #tpu.memory_space<vmem>>) target(%dma_start3A_45 : memref<10000x128xf32, #tpu.memory_space<vmem_shared>>) offsets(%dma_start3A_42 : memref<80xi32, #tpu.memory_space<vmem>>) semaphore(%run_scoped3A_35 : memref<!tpu.dma_semaphore, #tpu.memory_space<semaphore_mem>>) {add = true}
      %dma_wait3A_46 = arith.constant 0 : i32
      %dma_wait3A_47 = arith.constant 0 : i32
      %dma_wait3A_48 = tpu.memref_slice %arg8[%run_scoped3A, %dma_wait3A_46, %dma_wait3A_47] : memref<2x80x128xf32, #tpu.memory_space<vmem>> -> memref<1x80x128xf32, #tpu.memory_space<vmem>>
      %dma_wait3A_49 = tpu.memref_squeeze %dma_wait3A_48 : memref<1x80x128xf32, #tpu.memory_space<vmem>> -> memref<80x128xf32, #tpu.memory_space<vmem>>
      %dma_wait3A_50 = arith.constant 0 : i32
      %dma_wait3A_51 = tpu.memref_slice %arg7[%run_scoped3A_28, %dma_wait3A_50] : memref<125x80xi32, #tpu.memory_space<vmem>> -> memref<1x80xi32, #tpu.memory_space<vmem>>
      %dma_wait3A_52 = tpu.memref_squeeze %dma_wait3A_51 : memref<1x80xi32, #tpu.memory_space<vmem>> -> memref<80xi32, #tpu.memory_space<vmem>>
      %dma_wait3A_53 = arith.constant 0 : i32
      %dma_wait3A_54 = arith.constant 0 : i32
      %dma_wait3A_55 = tpu.memref_slice %arg9[%dma_wait3A_53, %dma_wait3A_54] : memref<10000x128xf32, #tpu.memory_space<vmem_shared>> -> memref<10000x128xf32, #tpu.memory_space<vmem_shared>>
      tpu.wait_indirect_dma semaphore(%run_scoped3A_35 : memref<!tpu.dma_semaphore, #tpu.memory_space<semaphore_mem>>) src(%dma_wait3A_49 : memref<80x128xf32, #tpu.memory_space<vmem>>) dst(%dma_wait3A_55 : memref<10000x128xf32, #tpu.memory_space<vmem_shared>>)
      tpu.yield
    }) : () -> ()
    %barrier3A_29 = arith.constant 0 : index
    tpu.barrier barrier_id(%barrier3A_29)
    "tpu.region"() ({
      %run_scoped3A_35 = tpu.sem_alloc : memref<!tpu.dma_semaphore, #tpu.memory_space<semaphore_mem>>
      %dma_start3A_36 = arith.constant 0 : i32
      %dma_start3A_37 = tpu.memref_slice %arg5[%arg0, %mul3A_2, %dma_start3A_36] : memref<2x10000x128xf32, #tpu.memory_space<hbm>> -> memref<1x624x128xf32, #tpu.memory_space<hbm>>
      %dma_start3A_38 = tpu.memref_squeeze %dma_start3A_37 : memref<1x624x128xf32, #tpu.memory_space<hbm>> -> memref<624x128xf32, #tpu.memory_space<hbm>>
      %dma_start3A_39 = arith.constant 0 : i32
      %dma_start3A_40 = tpu.memref_slice %arg9[%mul3A_2, %dma_start3A_39] : memref<10000x128xf32, #tpu.memory_space<vmem_shared>> -> memref<624x128xf32, #tpu.memory_space<vmem_shared>>
      tpu.enqueue_dma source(%dma_start3A_40 : memref<624x128xf32, #tpu.memory_space<vmem_shared>>) target(%dma_start3A_38 : memref<624x128xf32, #tpu.memory_space<hbm>>) target_semaphore(%run_scoped3A_35 : memref<!tpu.dma_semaphore, #tpu.memory_space<semaphore_mem>>)
      %dma_wait3A_41 = arith.constant 0 : i32
      %dma_wait3A_42 = tpu.memref_slice %arg5[%arg0, %mul3A_2, %dma_wait3A_41] : memref<2x10000x128xf32, #tpu.memory_space<hbm>> -> memref<1x624x128xf32, #tpu.memory_space<hbm>>
      %dma_wait3A_43 = tpu.memref_squeeze %dma_wait3A_42 : memref<1x624x128xf32, #tpu.memory_space<hbm>> -> memref<624x128xf32, #tpu.memory_space<hbm>>
      %dma_wait3A_44 = arith.constant 0 : i32
      %dma_wait3A_45 = tpu.memref_slice %arg9[%mul3A_2, %dma_wait3A_44] : memref<10000x128xf32, #tpu.memory_space<vmem_shared>> -> memref<624x128xf32, #tpu.memory_space<vmem_shared>>
      tpu.wait_dma2 semaphore(%run_scoped3A_35 : memref<!tpu.dma_semaphore, #tpu.memory_space<semaphore_mem>>) src(%dma_wait3A_45 : memref<624x128xf32, #tpu.memory_space<vmem_shared>>) dst(%dma_wait3A_43 : memref<624x128xf32, #tpu.memory_space<hbm>>)
      tpu.yield
    }) : () -> ()
    %eq3A_30 = arith.constant 15 : i32
    %eq3A_31 = arith.cmpi eq, %arg1, %eq3A_30 : i32
    %convert_element_type3A_32 = arith.extui %eq3A_31 : i1 to i32
    %cond3A_33 = arith.constant 0 : i32
    %cond3A_34 = arith.cmpi ne, %convert_element_type3A_32, %cond3A_33 : i32
    scf.if %cond3A_34 {
      "tpu.region"() ({
        %run_scoped3A_35 = tpu.sem_alloc : memref<!tpu.dma_semaphore, #tpu.memory_space<semaphore_mem>>
        %dma_start3A_36 = arith.constant 9984 : i32
        %dma_start3A_37 = arith.constant 0 : i32
        %dma_start3A_38 = tpu.memref_slice %arg5[%arg0, %dma_start3A_36, %dma_start3A_37] : memref<2x10000x128xf32, #tpu.memory_space<hbm>> -> memref<1x16x128xf32, #tpu.memory_space<hbm>>
        %dma_start3A_39 = tpu.memref_squeeze %dma_start3A_38 : memref<1x16x128xf32, #tpu.memory_space<hbm>> -> memref<16x128xf32, #tpu.memory_space<hbm>>
        %dma_start3A_40 = arith.constant 9984 : i32
        %dma_start3A_41 = arith.constant 0 : i32
        %dma_start3A_42 = tpu.memref_slice %arg9[%dma_start3A_40, %dma_start3A_41] : memref<10000x128xf32, #tpu.memory_space<vmem_shared>> -> memref<16x128xf32, #tpu.memory_space<vmem_shared>>
        tpu.enqueue_dma source(%dma_start3A_42 : memref<16x128xf32, #tpu.memory_space<vmem_shared>>) target(%dma_start3A_39 : memref<16x128xf32, #tpu.memory_space<hbm>>) target_semaphore(%run_scoped3A_35 : memref<!tpu.dma_semaphore, #tpu.memory_space<semaphore_mem>>)
        %dma_wait3A_43 = arith.constant 9984 : i32
        %dma_wait3A_44 = arith.constant 0 : i32
        %dma_wait3A_45 = tpu.memref_slice %arg5[%arg0, %dma_wait3A_43, %dma_wait3A_44] : memref<2x10000x128xf32, #tpu.memory_space<hbm>> -> memref<1x16x128xf32, #tpu.memory_space<hbm>>
        %dma_wait3A_46 = tpu.memref_squeeze %dma_wait3A_45 : memref<1x16x128xf32, #tpu.memory_space<hbm>> -> memref<16x128xf32, #tpu.memory_space<hbm>>
        %dma_wait3A_47 = arith.constant 9984 : i32
        %dma_wait3A_48 = arith.constant 0 : i32
        %dma_wait3A_49 = tpu.memref_slice %arg9[%dma_wait3A_47, %dma_wait3A_48] : memref<10000x128xf32, #tpu.memory_space<vmem_shared>> -> memref<16x128xf32, #tpu.memory_space<vmem_shared>>
        tpu.wait_dma2 semaphore(%run_scoped3A_35 : memref<!tpu.dma_semaphore, #tpu.memory_space<semaphore_mem>>) src(%dma_wait3A_49 : memref<16x128xf32, #tpu.memory_space<vmem_shared>>) dst(%dma_wait3A_46 : memref<16x128xf32, #tpu.memory_space<hbm>>)
        tpu.yield
      }) : () -> ()
    } else {
    }
    return
  }
}

#map = affine_map<(d0, d1) -> (0, 0)>
#map1 = affine_map<(d0, d1) -> (0, 0, 0)>
module attributes {stable_mosaic.version = 14 : i64} {
  func.func @agg_kernel(%arg0: i32, %arg1: i32, %arg2: memref<10000x128xf32, #tpu.memory_space<hbm>>, %arg3: memref<32x10000xi32, #tpu.memory_space<hbm>>, %arg4: memref<32x125x80xi32, #tpu.memory_space<hbm>>, %arg5: memref<2x10000x128xf32, #tpu.memory_space<hbm>>, %arg6: memref<10000xi32, #tpu.memory_space<vmem>>, %arg7: memref<125x80xi32, #tpu.memory_space<vmem>>, %arg8: memref<2x80x128xf32, #tpu.memory_space<vmem>>, %arg9: memref<10000x128xf32, #tpu.memory_space<vmem_shared>>, %arg10: memref<!tpu.dma_semaphore, #tpu.memory_space<semaphore_mem>>, %arg11: memref<!tpu.dma_semaphore, #tpu.memory_space<semaphore_mem>>) attributes {dimension_semantics = [#tpu.dimension_semantics<core_parallel>, #tpu.dimension_semantics<subcore_parallel>], iteration_bounds = array<i64: 2, 16>, scalar_prefetch = 0 : i64, scratch_operands = 6 : i64, tpu.core_type = #tpu.core_type<sc_vector_subcore>, window_params = [{transform_indices = #map}, {transform_indices = #map}, {transform_indices = #map1}, {transform_indices = #map1}]} {
    %mul3A = arith.constant 2 : i32
    %mul3A_0 = arith.muli %arg1, %mul3A : i32
    %add3A = arith.addi %mul3A_0, %arg0 : i32
    "tpu.region"() ({
      %run_scoped3A_35 = tpu.sem_alloc : memref<!tpu.dma_semaphore, #tpu.memory_space<semaphore_mem>>
      %dma_start3A_36 = arith.constant 0 : i32
      %dma_start3A_37 = tpu.memref_slice %arg3[%add3A, %dma_start3A_36] : memref<32x10000xi32, #tpu.memory_space<hbm>> -> memref<1x10000xi32, #tpu.memory_space<hbm>>
      %dma_start3A_38 = tpu.memref_squeeze %dma_start3A_37 : memref<1x10000xi32, #tpu.memory_space<hbm>> -> memref<10000xi32, #tpu.memory_space<hbm>>
      %dma_start3A_39 = arith.constant 0 : i32
      %dma_start3A_40 = tpu.memref_slice %arg3[%add3A, %dma_start3A_39] : memref<32x10000xi32, #tpu.memory_space<hbm>> -> memref<1x10000xi32, #tpu.memory_space<hbm>>
      %dma_start3A_41 = tpu.memref_squeeze %dma_start3A_40 : memref<1x10000xi32, #tpu.memory_space<hbm>> -> memref<10000xi32, #tpu.memory_space<hbm>>
      tpu.enqueue_dma source(%dma_start3A_41 : memref<10000xi32, #tpu.memory_space<hbm>>) target(%arg6 : memref<10000xi32, #tpu.memory_space<vmem>>) target_semaphore(%run_scoped3A_35 : memref<!tpu.dma_semaphore, #tpu.memory_space<semaphore_mem>>)
      %dma_wait3A_42 = arith.constant 0 : i32
      %dma_wait3A_43 = tpu.memref_slice %arg3[%add3A, %dma_wait3A_42] : memref<32x10000xi32, #tpu.memory_space<hbm>> -> memref<1x10000xi32, #tpu.memory_space<hbm>>
      %dma_wait3A_44 = tpu.memref_squeeze %dma_wait3A_43 : memref<1x10000xi32, #tpu.memory_space<hbm>> -> memref<10000xi32, #tpu.memory_space<hbm>>
      %dma_wait3A_45 = arith.constant 0 : i32
      %dma_wait3A_46 = tpu.memref_slice %arg3[%add3A, %dma_wait3A_45] : memref<32x10000xi32, #tpu.memory_space<hbm>> -> memref<1x10000xi32, #tpu.memory_space<hbm>>
      %dma_wait3A_47 = tpu.memref_squeeze %dma_wait3A_46 : memref<1x10000xi32, #tpu.memory_space<hbm>> -> memref<10000xi32, #tpu.memory_space<hbm>>
      tpu.wait_dma2 semaphore(%run_scoped3A_35 : memref<!tpu.dma_semaphore, #tpu.memory_space<semaphore_mem>>) src(%dma_wait3A_47 : memref<10000xi32, #tpu.memory_space<hbm>>) dst(%arg6 : memref<10000xi32, #tpu.memory_space<vmem>>)
      tpu.yield
    }) : () -> ()
    "tpu.region"() ({
      %run_scoped3A_35 = tpu.sem_alloc : memref<!tpu.dma_semaphore, #tpu.memory_space<semaphore_mem>>
      %dma_start3A_36 = arith.constant 0 : i32
      %dma_start3A_37 = arith.constant 0 : i32
      %dma_start3A_38 = tpu.memref_slice %arg4[%add3A, %dma_start3A_36, %dma_start3A_37] : memref<32x125x80xi32, #tpu.memory_space<hbm>> -> memref<1x125x80xi32, #tpu.memory_space<hbm>>
      %dma_start3A_39 = tpu.memref_squeeze %dma_start3A_38 : memref<1x125x80xi32, #tpu.memory_space<hbm>> -> memref<125x80xi32, #tpu.memory_space<hbm>>
      %dma_start3A_40 = arith.constant 0 : i32
      %dma_start3A_41 = arith.constant 0 : i32
      %dma_start3A_42 = tpu.memref_slice %arg4[%add3A, %dma_start3A_40, %dma_start3A_41] : memref<32x125x80xi32, #tpu.memory_space<hbm>> -> memref<1x125x80xi32, #tpu.memory_space<hbm>>
      %dma_start3A_43 = tpu.memref_squeeze %dma_start3A_42 : memref<1x125x80xi32, #tpu.memory_space<hbm>> -> memref<125x80xi32, #tpu.memory_space<hbm>>
      tpu.enqueue_dma source(%dma_start3A_43 : memref<125x80xi32, #tpu.memory_space<hbm>>) target(%arg7 : memref<125x80xi32, #tpu.memory_space<vmem>>) target_semaphore(%run_scoped3A_35 : memref<!tpu.dma_semaphore, #tpu.memory_space<semaphore_mem>>)
      %dma_wait3A_44 = arith.constant 0 : i32
      %dma_wait3A_45 = arith.constant 0 : i32
      %dma_wait3A_46 = tpu.memref_slice %arg4[%add3A, %dma_wait3A_44, %dma_wait3A_45] : memref<32x125x80xi32, #tpu.memory_space<hbm>> -> memref<1x125x80xi32, #tpu.memory_space<hbm>>
      %dma_wait3A_47 = tpu.memref_squeeze %dma_wait3A_46 : memref<1x125x80xi32, #tpu.memory_space<hbm>> -> memref<125x80xi32, #tpu.memory_space<hbm>>
      %dma_wait3A_48 = arith.constant 0 : i32
      %dma_wait3A_49 = arith.constant 0 : i32
      %dma_wait3A_50 = tpu.memref_slice %arg4[%add3A, %dma_wait3A_48, %dma_wait3A_49] : memref<32x125x80xi32, #tpu.memory_space<hbm>> -> memref<1x125x80xi32, #tpu.memory_space<hbm>>
      %dma_wait3A_51 = tpu.memref_squeeze %dma_wait3A_50 : memref<1x125x80xi32, #tpu.memory_space<hbm>> -> memref<125x80xi32, #tpu.memory_space<hbm>>
      tpu.wait_dma2 semaphore(%run_scoped3A_35 : memref<!tpu.dma_semaphore, #tpu.memory_space<semaphore_mem>>) src(%dma_wait3A_51 : memref<125x80xi32, #tpu.memory_space<hbm>>) dst(%arg7 : memref<125x80xi32, #tpu.memory_space<vmem>>)
      tpu.yield
    }) : () -> ()
    %mul3A_1 = arith.constant 624 : i32
    %mul3A_2 = arith.muli %arg1, %mul3A_1 : i32
    "tpu.region"() ({
      %run_scoped3A_35 = tpu.sem_alloc : memref<!tpu.dma_semaphore, #tpu.memory_space<semaphore_mem>>
      %dma_start3A_36 = arith.constant 0 : i32
      %dma_start3A_37 = tpu.memref_slice %arg9[%mul3A_2, %dma_start3A_36] : memref<10000x128xf32, #tpu.memory_space<vmem_shared>> -> memref<624x128xf32, #tpu.memory_space<vmem_shared>>
      %dma_start3A_38 = arith.constant 0 : i32
      %dma_start3A_39 = tpu.memref_slice %arg2[%mul3A_2, %dma_start3A_38] : memref<10000x128xf32, #tpu.memory_space<hbm>> -> memref<624x128xf32, #tpu.memory_space<hbm>>
      tpu.enqueue_dma source(%dma_start3A_39 : memref<624x128xf32, #tpu.memory_space<hbm>>) target(%dma_start3A_37 : memref<624x128xf32, #tpu.memory_space<vmem_shared>>) target_semaphore(%run_scoped3A_35 : memref<!tpu.dma_semaphore, #tpu.memory_space<semaphore_mem>>)
      %dma_wait3A_40 = arith.constant 0 : i32
      %dma_wait3A_41 = tpu.memref_slice %arg9[%mul3A_2, %dma_wait3A_40] : memref<10000x128xf32, #tpu.memory_space<vmem_shared>> -> memref<624x128xf32, #tpu.memory_space<vmem_shared>>
      %dma_wait3A_42 = arith.constant 0 : i32
      %dma_wait3A_43 = tpu.memref_slice %arg2[%mul3A_2, %dma_wait3A_42] : memref<10000x128xf32, #tpu.memory_space<hbm>> -> memref<624x128xf32, #tpu.memory_space<hbm>>
      tpu.wait_dma2 semaphore(%run_scoped3A_35 : memref<!tpu.dma_semaphore, #tpu.memory_space<semaphore_mem>>) src(%dma_wait3A_43 : memref<624x128xf32, #tpu.memory_space<hbm>>) dst(%dma_wait3A_41 : memref<624x128xf32, #tpu.memory_space<vmem_shared>>)
      tpu.yield
    }) : () -> ()
    %eq3A = arith.constant 15 : i32
    %eq3A_3 = arith.cmpi eq, %arg1, %eq3A : i32
    %convert_element_type3A = arith.extui %eq3A_3 : i1 to i32
    %cond3A = arith.constant 0 : i32
    %cond3A_4 = arith.cmpi ne, %convert_element_type3A, %cond3A : i32
    scf.if %cond3A_4 {
      "tpu.region"() ({
        %run_scoped3A_35 = tpu.sem_alloc : memref<!tpu.dma_semaphore, #tpu.memory_space<semaphore_mem>>
        %dma_start3A_36 = arith.constant 9984 : i32
        %dma_start3A_37 = arith.constant 0 : i32
        %dma_start3A_38 = tpu.memref_slice %arg9[%dma_start3A_36, %dma_start3A_37] : memref<10000x128xf32, #tpu.memory_space<vmem_shared>> -> memref<16x128xf32, #tpu.memory_space<vmem_shared>>
        %dma_start3A_39 = arith.constant 9984 : i32
        %dma_start3A_40 = arith.constant 0 : i32
        %dma_start3A_41 = tpu.memref_slice %arg2[%dma_start3A_39, %dma_start3A_40] : memref<10000x128xf32, #tpu.memory_space<hbm>> -> memref<16x128xf32, #tpu.memory_space<hbm>>
        tpu.enqueue_dma source(%dma_start3A_41 : memref<16x128xf32, #tpu.memory_space<hbm>>) target(%dma_start3A_38 : memref<16x128xf32, #tpu.memory_space<vmem_shared>>) target_semaphore(%run_scoped3A_35 : memref<!tpu.dma_semaphore, #tpu.memory_space<semaphore_mem>>)
        %dma_wait3A_42 = arith.constant 9984 : i32
        %dma_wait3A_43 = arith.constant 0 : i32
        %dma_wait3A_44 = tpu.memref_slice %arg9[%dma_wait3A_42, %dma_wait3A_43] : memref<10000x128xf32, #tpu.memory_space<vmem_shared>> -> memref<16x128xf32, #tpu.memory_space<vmem_shared>>
        %dma_wait3A_45 = arith.constant 9984 : i32
        %dma_wait3A_46 = arith.constant 0 : i32
        %dma_wait3A_47 = tpu.memref_slice %arg2[%dma_wait3A_45, %dma_wait3A_46] : memref<10000x128xf32, #tpu.memory_space<hbm>> -> memref<16x128xf32, #tpu.memory_space<hbm>>
        tpu.wait_dma2 semaphore(%run_scoped3A_35 : memref<!tpu.dma_semaphore, #tpu.memory_space<semaphore_mem>>) src(%dma_wait3A_47 : memref<16x128xf32, #tpu.memory_space<hbm>>) dst(%dma_wait3A_44 : memref<16x128xf32, #tpu.memory_space<vmem_shared>>)
        tpu.yield
      }) : () -> ()
    } else {
    }
    %barrier3A = arith.constant 0 : index
    tpu.barrier barrier_id(%barrier3A)
    %dma_start3A = arith.constant 0 : i32
    %dma_start3A_5 = arith.constant 0 : i32
    %dma_start3A_6 = arith.constant 0 : i32
    %dma_start3A_7 = tpu.memref_slice %arg8[%dma_start3A, %dma_start3A_5, %dma_start3A_6] : memref<2x80x128xf32, #tpu.memory_space<vmem>> -> memref<1x80x128xf32, #tpu.memory_space<vmem>>
    %dma_start3A_8 = tpu.memref_squeeze %dma_start3A_7 : memref<1x80x128xf32, #tpu.memory_space<vmem>> -> memref<80x128xf32, #tpu.memory_space<vmem>>
    %dma_start3A_9 = arith.constant 0 : i32
    %dma_start3A_10 = tpu.memref_slice %arg6[%dma_start3A_9] : memref<10000xi32, #tpu.memory_space<vmem>> -> memref<80xi32, #tpu.memory_space<vmem>>
    %dma_start3A_11 = arith.constant 0 : i32
    %dma_start3A_12 = arith.constant 0 : i32
    %dma_start3A_13 = tpu.memref_slice %arg2[%dma_start3A_11, %dma_start3A_12] : memref<10000x128xf32, #tpu.memory_space<hbm>> -> memref<10000x128xf32, #tpu.memory_space<hbm>>
    tpu.enqueue_indirect_dma source(%dma_start3A_13 : memref<10000x128xf32, #tpu.memory_space<hbm>>) target(%dma_start3A_8 : memref<80x128xf32, #tpu.memory_space<vmem>>) offsets(%dma_start3A_10 : memref<80xi32, #tpu.memory_space<vmem>>) semaphore(%arg10 : memref<!tpu.dma_semaphore, #tpu.memory_space<semaphore_mem>>)
    %scan3A = arith.constant 0 : i32
    %scan3A_14 = arith.constant 0 : i32
    %scan3A_15 = arith.constant 62 : i32
    %scan3A_16 = arith.addi %scan3A_14, %scan3A_15 : i32
    %scan3A_17 = arith.constant 1 : i32
    scf.for %scan3A_35 = %scan3A_14 to %scan3A_16 step %scan3A_17  : i32 {
      %mul3A_36 = arith.constant 2 : i32
      %mul3A_37 = arith.muli %mul3A_36, %scan3A_35 : i32
      %add3A_38 = arith.constant 1 : i32
      %add3A_39 = arith.addi %mul3A_37, %add3A_38 : i32
      %mul3A_40 = arith.constant 80 : i32
      %mul3A_41 = arith.muli %add3A_39, %mul3A_40 : i32
      %dma_start3A_42 = arith.constant 1 : i32
      %dma_start3A_43 = arith.constant 0 : i32
      %dma_start3A_44 = arith.constant 0 : i32
      %dma_start3A_45 = tpu.memref_slice %arg8[%dma_start3A_42, %dma_start3A_43, %dma_start3A_44] : memref<2x80x128xf32, #tpu.memory_space<vmem>> -> memref<1x80x128xf32, #tpu.memory_space<vmem>>
      %dma_start3A_46 = tpu.memref_squeeze %dma_start3A_45 : memref<1x80x128xf32, #tpu.memory_space<vmem>> -> memref<80x128xf32, #tpu.memory_space<vmem>>
      %dma_start3A_47 = tpu.memref_slice %arg6[%mul3A_41] : memref<10000xi32, #tpu.memory_space<vmem>> -> memref<80xi32, #tpu.memory_space<vmem>>
      %dma_start3A_48 = arith.constant 0 : i32
      %dma_start3A_49 = arith.constant 0 : i32
      %dma_start3A_50 = tpu.memref_slice %arg2[%dma_start3A_48, %dma_start3A_49] : memref<10000x128xf32, #tpu.memory_space<hbm>> -> memref<10000x128xf32, #tpu.memory_space<hbm>>
      tpu.enqueue_indirect_dma source(%dma_start3A_50 : memref<10000x128xf32, #tpu.memory_space<hbm>>) target(%dma_start3A_46 : memref<80x128xf32, #tpu.memory_space<vmem>>) offsets(%dma_start3A_47 : memref<80xi32, #tpu.memory_space<vmem>>) semaphore(%arg11 : memref<!tpu.dma_semaphore, #tpu.memory_space<semaphore_mem>>)
      %mul3A_51 = arith.constant 80 : i32
      %mul3A_52 = arith.muli %mul3A_37, %mul3A_51 : i32
      %dma_wait3A_53 = arith.constant 0 : i32
      %dma_wait3A_54 = arith.constant 0 : i32
      %dma_wait3A_55 = arith.constant 0 : i32
      %dma_wait3A_56 = tpu.memref_slice %arg8[%dma_wait3A_53, %dma_wait3A_54, %dma_wait3A_55] : memref<2x80x128xf32, #tpu.memory_space<vmem>> -> memref<1x80x128xf32, #tpu.memory_space<vmem>>
      %dma_wait3A_57 = tpu.memref_squeeze %dma_wait3A_56 : memref<1x80x128xf32, #tpu.memory_space<vmem>> -> memref<80x128xf32, #tpu.memory_space<vmem>>
      %dma_wait3A_58 = tpu.memref_slice %arg6[%mul3A_52] : memref<10000xi32, #tpu.memory_space<vmem>> -> memref<80xi32, #tpu.memory_space<vmem>>
      %dma_wait3A_59 = arith.constant 0 : i32
      %dma_wait3A_60 = arith.constant 0 : i32
      %dma_wait3A_61 = tpu.memref_slice %arg2[%dma_wait3A_59, %dma_wait3A_60] : memref<10000x128xf32, #tpu.memory_space<hbm>> -> memref<10000x128xf32, #tpu.memory_space<hbm>>
      tpu.wait_indirect_dma semaphore(%arg10 : memref<!tpu.dma_semaphore, #tpu.memory_space<semaphore_mem>>) src(%dma_wait3A_61 : memref<10000x128xf32, #tpu.memory_space<hbm>>) dst(%dma_wait3A_57 : memref<80x128xf32, #tpu.memory_space<vmem>>)
      %run_scoped3A_62 = arith.constant 0 : i32
      "tpu.region"() ({
        %run_scoped3A_92 = tpu.sem_alloc : memref<!tpu.dma_semaphore, #tpu.memory_space<semaphore_mem>>
        %dma_start3A_93 = arith.constant 0 : i32
        %dma_start3A_94 = arith.constant 0 : i32
        %dma_start3A_95 = tpu.memref_slice %arg8[%run_scoped3A_62, %dma_start3A_93, %dma_start3A_94] : memref<2x80x128xf32, #tpu.memory_space<vmem>> -> memref<1x80x128xf32, #tpu.memory_space<vmem>>
        %dma_start3A_96 = tpu.memref_squeeze %dma_start3A_95 : memref<1x80x128xf32, #tpu.memory_space<vmem>> -> memref<80x128xf32, #tpu.memory_space<vmem>>
        %dma_start3A_97 = arith.constant 0 : i32
        %dma_start3A_98 = tpu.memref_slice %arg7[%mul3A_37, %dma_start3A_97] : memref<125x80xi32, #tpu.memory_space<vmem>> -> memref<1x80xi32, #tpu.memory_space<vmem>>
        %dma_start3A_99 = tpu.memref_squeeze %dma_start3A_98 : memref<1x80xi32, #tpu.memory_space<vmem>> -> memref<80xi32, #tpu.memory_space<vmem>>
        %dma_start3A_100 = arith.constant 0 : i32
        %dma_start3A_101 = arith.constant 0 : i32
        %dma_start3A_102 = tpu.memref_slice %arg9[%dma_start3A_100, %dma_start3A_101] : memref<10000x128xf32, #tpu.memory_space<vmem_shared>> -> memref<10000x128xf32, #tpu.memory_space<vmem_shared>>
        tpu.enqueue_indirect_dma source(%dma_start3A_96 : memref<80x128xf32, #tpu.memory_space<vmem>>) target(%dma_start3A_102 : memref<10000x128xf32, #tpu.memory_space<vmem_shared>>) offsets(%dma_start3A_99 : memref<80xi32, #tpu.memory_space<vmem>>) semaphore(%run_scoped3A_92 : memref<!tpu.dma_semaphore, #tpu.memory_space<semaphore_mem>>) {add = true}
        %dma_wait3A_103 = arith.constant 0 : i32
        %dma_wait3A_104 = arith.constant 0 : i32
        %dma_wait3A_105 = tpu.memref_slice %arg8[%run_scoped3A_62, %dma_wait3A_103, %dma_wait3A_104] : memref<2x80x128xf32, #tpu.memory_space<vmem>> -> memref<1x80x128xf32, #tpu.memory_space<vmem>>
        %dma_wait3A_106 = tpu.memref_squeeze %dma_wait3A_105 : memref<1x80x128xf32, #tpu.memory_space<vmem>> -> memref<80x128xf32, #tpu.memory_space<vmem>>
        %dma_wait3A_107 = arith.constant 0 : i32
        %dma_wait3A_108 = tpu.memref_slice %arg7[%mul3A_37, %dma_wait3A_107] : memref<125x80xi32, #tpu.memory_space<vmem>> -> memref<1x80xi32, #tpu.memory_space<vmem>>
        %dma_wait3A_109 = tpu.memref_squeeze %dma_wait3A_108 : memref<1x80xi32, #tpu.memory_space<vmem>> -> memref<80xi32, #tpu.memory_space<vmem>>
        %dma_wait3A_110 = arith.constant 0 : i32
        %dma_wait3A_111 = arith.constant 0 : i32
        %dma_wait3A_112 = tpu.memref_slice %arg9[%dma_wait3A_110, %dma_wait3A_111] : memref<10000x128xf32, #tpu.memory_space<vmem_shared>> -> memref<10000x128xf32, #tpu.memory_space<vmem_shared>>
        tpu.wait_indirect_dma semaphore(%run_scoped3A_92 : memref<!tpu.dma_semaphore, #tpu.memory_space<semaphore_mem>>) src(%dma_wait3A_106 : memref<80x128xf32, #tpu.memory_space<vmem>>) dst(%dma_wait3A_112 : memref<10000x128xf32, #tpu.memory_space<vmem_shared>>)
        tpu.yield
      }) : () -> ()
      %add3A_63 = arith.constant 2 : i32
      %add3A_64 = arith.addi %mul3A_37, %add3A_63 : i32
      %mul3A_65 = arith.constant 80 : i32
      %mul3A_66 = arith.muli %add3A_64, %mul3A_65 : i32
      %dma_start3A_67 = arith.constant 0 : i32
      %dma_start3A_68 = arith.constant 0 : i32
      %dma_start3A_69 = arith.constant 0 : i32
      %dma_start3A_70 = tpu.memref_slice %arg8[%dma_start3A_67, %dma_start3A_68, %dma_start3A_69] : memref<2x80x128xf32, #tpu.memory_space<vmem>> -> memref<1x80x128xf32, #tpu.memory_space<vmem>>
      %dma_start3A_71 = tpu.memref_squeeze %dma_start3A_70 : memref<1x80x128xf32, #tpu.memory_space<vmem>> -> memref<80x128xf32, #tpu.memory_space<vmem>>
      %dma_start3A_72 = tpu.memref_slice %arg6[%mul3A_66] : memref<10000xi32, #tpu.memory_space<vmem>> -> memref<80xi32, #tpu.memory_space<vmem>>
      %dma_start3A_73 = arith.constant 0 : i32
      %dma_start3A_74 = arith.constant 0 : i32
      %dma_start3A_75 = tpu.memref_slice %arg2[%dma_start3A_73, %dma_start3A_74] : memref<10000x128xf32, #tpu.memory_space<hbm>> -> memref<10000x128xf32, #tpu.memory_space<hbm>>
      tpu.enqueue_indirect_dma source(%dma_start3A_75 : memref<10000x128xf32, #tpu.memory_space<hbm>>) target(%dma_start3A_71 : memref<80x128xf32, #tpu.memory_space<vmem>>) offsets(%dma_start3A_72 : memref<80xi32, #tpu.memory_space<vmem>>) semaphore(%arg10 : memref<!tpu.dma_semaphore, #tpu.memory_space<semaphore_mem>>)
      %add3A_76 = arith.constant 1 : i32
      %add3A_77 = arith.addi %mul3A_37, %add3A_76 : i32
      %mul3A_78 = arith.constant 80 : i32
      %mul3A_79 = arith.muli %add3A_77, %mul3A_78 : i32
      %dma_wait3A_80 = arith.constant 1 : i32
      %dma_wait3A_81 = arith.constant 0 : i32
      %dma_wait3A_82 = arith.constant 0 : i32
      %dma_wait3A_83 = tpu.memref_slice %arg8[%dma_wait3A_80, %dma_wait3A_81, %dma_wait3A_82] : memref<2x80x128xf32, #tpu.memory_space<vmem>> -> memref<1x80x128xf32, #tpu.memory_space<vmem>>
      %dma_wait3A_84 = tpu.memref_squeeze %dma_wait3A_83 : memref<1x80x128xf32, #tpu.memory_space<vmem>> -> memref<80x128xf32, #tpu.memory_space<vmem>>
      %dma_wait3A_85 = tpu.memref_slice %arg6[%mul3A_79] : memref<10000xi32, #tpu.memory_space<vmem>> -> memref<80xi32, #tpu.memory_space<vmem>>
      %dma_wait3A_86 = arith.constant 0 : i32
      %dma_wait3A_87 = arith.constant 0 : i32
      %dma_wait3A_88 = tpu.memref_slice %arg2[%dma_wait3A_86, %dma_wait3A_87] : memref<10000x128xf32, #tpu.memory_space<hbm>> -> memref<10000x128xf32, #tpu.memory_space<hbm>>
      tpu.wait_indirect_dma semaphore(%arg11 : memref<!tpu.dma_semaphore, #tpu.memory_space<semaphore_mem>>) src(%dma_wait3A_88 : memref<10000x128xf32, #tpu.memory_space<hbm>>) dst(%dma_wait3A_84 : memref<80x128xf32, #tpu.memory_space<vmem>>)
      %add3A_89 = arith.constant 1 : i32
      %add3A_90 = arith.addi %mul3A_37, %add3A_89 : i32
      %run_scoped3A_91 = arith.constant 1 : i32
      "tpu.region"() ({
        %run_scoped3A_92 = tpu.sem_alloc : memref<!tpu.dma_semaphore, #tpu.memory_space<semaphore_mem>>
        %dma_start3A_93 = arith.constant 0 : i32
        %dma_start3A_94 = arith.constant 0 : i32
        %dma_start3A_95 = tpu.memref_slice %arg8[%run_scoped3A_91, %dma_start3A_93, %dma_start3A_94] : memref<2x80x128xf32, #tpu.memory_space<vmem>> -> memref<1x80x128xf32, #tpu.memory_space<vmem>>
        %dma_start3A_96 = tpu.memref_squeeze %dma_start3A_95 : memref<1x80x128xf32, #tpu.memory_space<vmem>> -> memref<80x128xf32, #tpu.memory_space<vmem>>
        %dma_start3A_97 = arith.constant 0 : i32
        %dma_start3A_98 = tpu.memref_slice %arg7[%add3A_90, %dma_start3A_97] : memref<125x80xi32, #tpu.memory_space<vmem>> -> memref<1x80xi32, #tpu.memory_space<vmem>>
        %dma_start3A_99 = tpu.memref_squeeze %dma_start3A_98 : memref<1x80xi32, #tpu.memory_space<vmem>> -> memref<80xi32, #tpu.memory_space<vmem>>
        %dma_start3A_100 = arith.constant 0 : i32
        %dma_start3A_101 = arith.constant 0 : i32
        %dma_start3A_102 = tpu.memref_slice %arg9[%dma_start3A_100, %dma_start3A_101] : memref<10000x128xf32, #tpu.memory_space<vmem_shared>> -> memref<10000x128xf32, #tpu.memory_space<vmem_shared>>
        tpu.enqueue_indirect_dma source(%dma_start3A_96 : memref<80x128xf32, #tpu.memory_space<vmem>>) target(%dma_start3A_102 : memref<10000x128xf32, #tpu.memory_space<vmem_shared>>) offsets(%dma_start3A_99 : memref<80xi32, #tpu.memory_space<vmem>>) semaphore(%run_scoped3A_92 : memref<!tpu.dma_semaphore, #tpu.memory_space<semaphore_mem>>) {add = true}
        %dma_wait3A_103 = arith.constant 0 : i32
        %dma_wait3A_104 = arith.constant 0 : i32
        %dma_wait3A_105 = tpu.memref_slice %arg8[%run_scoped3A_91, %dma_wait3A_103, %dma_wait3A_104] : memref<2x80x128xf32, #tpu.memory_space<vmem>> -> memref<1x80x128xf32, #tpu.memory_space<vmem>>
        %dma_wait3A_106 = tpu.memref_squeeze %dma_wait3A_105 : memref<1x80x128xf32, #tpu.memory_space<vmem>> -> memref<80x128xf32, #tpu.memory_space<vmem>>
        %dma_wait3A_107 = arith.constant 0 : i32
        %dma_wait3A_108 = tpu.memref_slice %arg7[%add3A_90, %dma_wait3A_107] : memref<125x80xi32, #tpu.memory_space<vmem>> -> memref<1x80xi32, #tpu.memory_space<vmem>>
        %dma_wait3A_109 = tpu.memref_squeeze %dma_wait3A_108 : memref<1x80xi32, #tpu.memory_space<vmem>> -> memref<80xi32, #tpu.memory_space<vmem>>
        %dma_wait3A_110 = arith.constant 0 : i32
        %dma_wait3A_111 = arith.constant 0 : i32
        %dma_wait3A_112 = tpu.memref_slice %arg9[%dma_wait3A_110, %dma_wait3A_111] : memref<10000x128xf32, #tpu.memory_space<vmem_shared>> -> memref<10000x128xf32, #tpu.memory_space<vmem_shared>>
        tpu.wait_indirect_dma semaphore(%run_scoped3A_92 : memref<!tpu.dma_semaphore, #tpu.memory_space<semaphore_mem>>) src(%dma_wait3A_106 : memref<80x128xf32, #tpu.memory_space<vmem>>) dst(%dma_wait3A_112 : memref<10000x128xf32, #tpu.memory_space<vmem_shared>>)
        tpu.yield
      }) : () -> ()
    }
    %scan3A_18 = arith.constant 62 : i32
    %dma_wait3A = arith.constant 0 : i32
    %dma_wait3A_19 = arith.constant 0 : i32
    %dma_wait3A_20 = arith.constant 0 : i32
    %dma_wait3A_21 = tpu.memref_slice %arg8[%dma_wait3A, %dma_wait3A_19, %dma_wait3A_20] : memref<2x80x128xf32, #tpu.memory_space<vmem>> -> memref<1x80x128xf32, #tpu.memory_space<vmem>>
    %dma_wait3A_22 = tpu.memref_squeeze %dma_wait3A_21 : memref<1x80x128xf32, #tpu.memory_space<vmem>> -> memref<80x128xf32, #tpu.memory_space<vmem>>
    %dma_wait3A_23 = arith.constant 9920 : i32
    %dma_wait3A_24 = tpu.memref_slice %arg6[%dma_wait3A_23] : memref<10000xi32, #tpu.memory_space<vmem>> -> memref<80xi32, #tpu.memory_space<vmem>>
    %dma_wait3A_25 = arith.constant 0 : i32
    %dma_wait3A_26 = arith.constant 0 : i32
    %dma_wait3A_27 = tpu.memref_slice %arg2[%dma_wait3A_25, %dma_wait3A_26] : memref<10000x128xf32, #tpu.memory_space<hbm>> -> memref<10000x128xf32, #tpu.memory_space<hbm>>
    tpu.wait_indirect_dma semaphore(%arg10 : memref<!tpu.dma_semaphore, #tpu.memory_space<semaphore_mem>>) src(%dma_wait3A_27 : memref<10000x128xf32, #tpu.memory_space<hbm>>) dst(%dma_wait3A_22 : memref<80x128xf32, #tpu.memory_space<vmem>>)
    %run_scoped3A = arith.constant 0 : i32
    %run_scoped3A_28 = arith.constant 124 : i32
    "tpu.region"() ({
      %run_scoped3A_35 = tpu.sem_alloc : memref<!tpu.dma_semaphore, #tpu.memory_space<semaphore_mem>>
      %dma_start3A_36 = arith.constant 0 : i32
      %dma_start3A_37 = arith.constant 0 : i32
      %dma_start3A_38 = tpu.memref_slice %arg8[%run_scoped3A, %dma_start3A_36, %dma_start3A_37] : memref<2x80x128xf32, #tpu.memory_space<vmem>> -> memref<1x80x128xf32, #tpu.memory_space<vmem>>
      %dma_start3A_39 = tpu.memref_squeeze %dma_start3A_38 : memref<1x80x128xf32, #tpu.memory_space<vmem>> -> memref<80x128xf32, #tpu.memory_space<vmem>>
      %dma_start3A_40 = arith.constant 0 : i32
      %dma_start3A_41 = tpu.memref_slice %arg7[%run_scoped3A_28, %dma_start3A_40] : memref<125x80xi32, #tpu.memory_space<vmem>> -> memref<1x80xi32, #tpu.memory_space<vmem>>
      %dma_start3A_42 = tpu.memref_squeeze %dma_start3A_41 : memref<1x80xi32, #tpu.memory_space<vmem>> -> memref<80xi32, #tpu.memory_space<vmem>>
      %dma_start3A_43 = arith.constant 0 : i32
      %dma_start3A_44 = arith.constant 0 : i32
      %dma_start3A_45 = tpu.memref_slice %arg9[%dma_start3A_43, %dma_start3A_44] : memref<10000x128xf32, #tpu.memory_space<vmem_shared>> -> memref<10000x128xf32, #tpu.memory_space<vmem_shared>>
      tpu.enqueue_indirect_dma source(%dma_start3A_39 : memref<80x128xf32, #tpu.memory_space<vmem>>) target(%dma_start3A_45 : memref<10000x128xf32, #tpu.memory_space<vmem_shared>>) offsets(%dma_start3A_42 : memref<80xi32, #tpu.memory_space<vmem>>) semaphore(%run_scoped3A_35 : memref<!tpu.dma_semaphore, #tpu.memory_space<semaphore_mem>>) {add = true}
      %dma_wait3A_46 = arith.constant 0 : i32
      %dma_wait3A_47 = arith.constant 0 : i32
      %dma_wait3A_48 = tpu.memref_slice %arg8[%run_scoped3A, %dma_wait3A_46, %dma_wait3A_47] : memref<2x80x128xf32, #tpu.memory_space<vmem>> -> memref<1x80x128xf32, #tpu.memory_space<vmem>>
      %dma_wait3A_49 = tpu.memref_squeeze %dma_wait3A_48 : memref<1x80x128xf32, #tpu.memory_space<vmem>> -> memref<80x128xf32, #tpu.memory_space<vmem>>
      %dma_wait3A_50 = arith.constant 0 : i32
      %dma_wait3A_51 = tpu.memref_slice %arg7[%run_scoped3A_28, %dma_wait3A_50] : memref<125x80xi32, #tpu.memory_space<vmem>> -> memref<1x80xi32, #tpu.memory_space<vmem>>
      %dma_wait3A_52 = tpu.memref_squeeze %dma_wait3A_51 : memref<1x80xi32, #tpu.memory_space<vmem>> -> memref<80xi32, #tpu.memory_space<vmem>>
      %dma_wait3A_53 = arith.constant 0 : i32
      %dma_wait3A_54 = arith.constant 0 : i32
      %dma_wait3A_55 = tpu.memref_slice %arg9[%dma_wait3A_53, %dma_wait3A_54] : memref<10000x128xf32, #tpu.memory_space<vmem_shared>> -> memref<10000x128xf32, #tpu.memory_space<vmem_shared>>
      tpu.wait_indirect_dma semaphore(%run_scoped3A_35 : memref<!tpu.dma_semaphore, #tpu.memory_space<semaphore_mem>>) src(%dma_wait3A_49 : memref<80x128xf32, #tpu.memory_space<vmem>>) dst(%dma_wait3A_55 : memref<10000x128xf32, #tpu.memory_space<vmem_shared>>)
      tpu.yield
    }) : () -> ()
    %barrier3A_29 = arith.constant 0 : index
    tpu.barrier barrier_id(%barrier3A_29)
    "tpu.region"() ({
      %run_scoped3A_35 = tpu.sem_alloc : memref<!tpu.dma_semaphore, #tpu.memory_space<semaphore_mem>>
      %dma_start3A_36 = arith.constant 0 : i32
      %dma_start3A_37 = tpu.memref_slice %arg5[%arg0, %mul3A_2, %dma_start3A_36] : memref<2x10000x128xf32, #tpu.memory_space<hbm>> -> memref<1x624x128xf32, #tpu.memory_space<hbm>>
      %dma_start3A_38 = tpu.memref_squeeze %dma_start3A_37 : memref<1x624x128xf32, #tpu.memory_space<hbm>> -> memref<624x128xf32, #tpu.memory_space<hbm>>
      %dma_start3A_39 = arith.constant 0 : i32
      %dma_start3A_40 = tpu.memref_slice %arg9[%mul3A_2, %dma_start3A_39] : memref<10000x128xf32, #tpu.memory_space<vmem_shared>> -> memref<624x128xf32, #tpu.memory_space<vmem_shared>>
      tpu.enqueue_dma source(%dma_start3A_40 : memref<624x128xf32, #tpu.memory_space<vmem_shared>>) target(%dma_start3A_38 : memref<624x128xf32, #tpu.memory_space<hbm>>) target_semaphore(%run_scoped3A_35 : memref<!tpu.dma_semaphore, #tpu.memory_space<semaphore_mem>>)
      %dma_wait3A_41 = arith.constant 0 : i32
      %dma_wait3A_42 = tpu.memref_slice %arg5[%arg0, %mul3A_2, %dma_wait3A_41] : memref<2x10000x128xf32, #tpu.memory_space<hbm>> -> memref<1x624x128xf32, #tpu.memory_space<hbm>>
      %dma_wait3A_43 = tpu.memref_squeeze %dma_wait3A_42 : memref<1x624x128xf32, #tpu.memory_space<hbm>> -> memref<624x128xf32, #tpu.memory_space<hbm>>
      %dma_wait3A_44 = arith.constant 0 : i32
      %dma_wait3A_45 = tpu.memref_slice %arg9[%mul3A_2, %dma_wait3A_44] : memref<10000x128xf32, #tpu.memory_space<vmem_shared>> -> memref<624x128xf32, #tpu.memory_space<vmem_shared>>
      tpu.wait_dma2 semaphore(%run_scoped3A_35 : memref<!tpu.dma_semaphore, #tpu.memory_space<semaphore_mem>>) src(%dma_wait3A_45 : memref<624x128xf32, #tpu.memory_space<vmem_shared>>) dst(%dma_wait3A_43 : memref<624x128xf32, #tpu.memory_space<hbm>>)
      tpu.yield
    }) : () -> ()
    %eq3A_30 = arith.constant 15 : i32
    %eq3A_31 = arith.cmpi eq, %arg1, %eq3A_30 : i32
    %convert_element_type3A_32 = arith.extui %eq3A_31 : i1 to i32
    %cond3A_33 = arith.constant 0 : i32
    %cond3A_34 = arith.cmpi ne, %convert_element_type3A_32, %cond3A_33 : i32
    scf.if %cond3A_34 {
      "tpu.region"() ({
        %run_scoped3A_35 = tpu.sem_alloc : memref<!tpu.dma_semaphore, #tpu.memory_space<semaphore_mem>>
        %dma_start3A_36 = arith.constant 9984 : i32
        %dma_start3A_37 = arith.constant 0 : i32
        %dma_start3A_38 = tpu.memref_slice %arg5[%arg0, %dma_start3A_36, %dma_start3A_37] : memref<2x10000x128xf32, #tpu.memory_space<hbm>> -> memref<1x16x128xf32, #tpu.memory_space<hbm>>
        %dma_start3A_39 = tpu.memref_squeeze %dma_start3A_38 : memref<1x16x128xf32, #tpu.memory_space<hbm>> -> memref<16x128xf32, #tpu.memory_space<hbm>>
        %dma_start3A_40 = arith.constant 9984 : i32
        %dma_start3A_41 = arith.constant 0 : i32
        %dma_start3A_42 = tpu.memref_slice %arg9[%dma_start3A_40, %dma_start3A_41] : memref<10000x128xf32, #tpu.memory_space<vmem_shared>> -> memref<16x128xf32, #tpu.memory_space<vmem_shared>>
        tpu.enqueue_dma source(%dma_start3A_42 : memref<16x128xf32, #tpu.memory_space<vmem_shared>>) target(%dma_start3A_39 : memref<16x128xf32, #tpu.memory_space<hbm>>) target_semaphore(%run_scoped3A_35 : memref<!tpu.dma_semaphore, #tpu.memory_space<semaphore_mem>>)
        %dma_wait3A_43 = arith.constant 9984 : i32
        %dma_wait3A_44 = arith.constant 0 : i32
        %dma_wait3A_45 = tpu.memref_slice %arg5[%arg0, %dma_wait3A_43, %dma_wait3A_44] : memref<2x10000x128xf32, #tpu.memory_space<hbm>> -> memref<1x16x128xf32, #tpu.memory_space<hbm>>
        %dma_wait3A_46 = tpu.memref_squeeze %dma_wait3A_45 : memref<1x16x128xf32, #tpu.memory_space<hbm>> -> memref<16x128xf32, #tpu.memory_space<hbm>>
        %dma_wait3A_47 = arith.constant 9984 : i32
        %dma_wait3A_48 = arith.constant 0 : i32
        %dma_wait3A_49 = tpu.memref_slice %arg9[%dma_wait3A_47, %dma_wait3A_48] : memref<10000x128xf32, #tpu.memory_space<vmem_shared>> -> memref<16x128xf32, #tpu.memory_space<vmem_shared>>
        tpu.wait_dma2 semaphore(%run_scoped3A_35 : memref<!tpu.dma_semaphore, #tpu.memory_space<semaphore_mem>>) src(%dma_wait3A_49 : memref<16x128xf32, #tpu.memory_space<vmem_shared>>) dst(%dma_wait3A_46 : memref<16x128xf32, #tpu.memory_space<hbm>>)
        tpu.yield
      }) : () -> ()
    } else {
    }
    return
  }
}

module attributes {stable_mosaic.version = 14 : i64} {
  func.func @body(%arg0: i32, %arg1: memref<2x2000x128xf32, #tpu.memory_space<vmem>>, %arg2: memref<2000x128xf32, #tpu.memory_space<vmem>>, %arg3: memref<2000x1xi32, #tpu.memory_space<vmem>>, %arg4: memref<128x128xf32, #tpu.memory_space<vmem>>, %arg5: memref<1x128xf32, #tpu.memory_space<vmem>>, %arg6: memref<128x128xf32, #tpu.memory_space<vmem>>, %arg7: memref<1x128xf32, #tpu.memory_space<vmem>>, %arg8: memref<2000x128xf32, #tpu.memory_space<vmem>>, %arg9: memref<2000x128xf32, #tpu.memory_space<vmem>>, %arg10: memref<128x128xf32, #tpu.memory_space<vmem>>, %arg11: memref<128x128xf32, #tpu.memory_space<vmem>>, %arg12: memref<128x1xf32, #tpu.memory_space<vmem>>) attributes {dimension_semantics = [#tpu.dimension_semantics<arbitrary>], iteration_bounds = array<i64: 5>, scalar_prefetch = 0 : i64, scratch_operands = 2 : i64, tpu.core_type = #tpu.core_type<tc>, window_params = [{transform_indices = @transform_0, window_bounds = array<i64: 2, 2000, 128>}, {transform_indices = @transform_1, window_bounds = array<i64: 2000, 128>}, {transform_indices = @transform_2, window_bounds = array<i64: 2000, 1>}, {pipeline_mode = #tpu.pipeline_mode<synchronous>, transform_indices = @transform_3, window_bounds = array<i64: 128, 128>}, {pipeline_mode = #tpu.pipeline_mode<synchronous>, transform_indices = @transform_4, window_bounds = array<i64: 1, 128>}, {pipeline_mode = #tpu.pipeline_mode<synchronous>, transform_indices = @transform_5, window_bounds = array<i64: 128, 128>}, {pipeline_mode = #tpu.pipeline_mode<synchronous>, transform_indices = @transform_6, window_bounds = array<i64: 1, 128>}, {transform_indices = @transform_7, window_bounds = array<i64: 2000, 128>}, {transform_indices = @transform_8, window_bounds = array<i64: 2000, 128>}, {transform_indices = @transform_9, window_bounds = array<i64: 128, 128>}]} {
    %get3A = arith.constant 0 : index
    %get3A_0 = arith.constant 0 : index
    %get3A_1 = arith.constant 0 : index
    %get3A_2 = vector.load %arg1[%get3A, %get3A_0, %get3A_1] : memref<2x2000x128xf32, #tpu.memory_space<vmem>>, vector<1x2000x128xf32>
    %get3A_3 = vector.shape_cast %get3A_2 : vector<1x2000x128xf32> to vector<2000x128xf32>
    %get3A_4 = arith.constant 1 : index
    %get3A_5 = arith.constant 0 : index
    %get3A_6 = arith.constant 0 : index
    %get3A_7 = vector.load %arg1[%get3A_4, %get3A_5, %get3A_6] : memref<2x2000x128xf32, #tpu.memory_space<vmem>>, vector<1x2000x128xf32>
    %get3A_8 = vector.shape_cast %get3A_7 : vector<1x2000x128xf32> to vector<2000x128xf32>
    %add3A = arith.addf %get3A_3, %get3A_8 : vector<2000x128xf32>
    %get3A_9 = arith.constant 0 : index
    %get3A_10 = arith.constant 0 : index
    %get3A_11 = vector.load %arg2[%get3A_9, %get3A_10] : memref<2000x128xf32, #tpu.memory_space<vmem>>, vector<2000x128xf32>
    %sub3A = arith.subf %add3A, %get3A_11 : vector<2000x128xf32>
    %get3A_12 = arith.constant 0 : index
    %get3A_13 = arith.constant 0 : index
    %get3A_14 = vector.load %arg4[%get3A_12, %get3A_13] : memref<128x128xf32, #tpu.memory_space<vmem>>, vector<128x128xf32>
    %dot_general3A = arith.constant dense<0.000000e+00> : vector<2000x128xf32>
    %dot_general3A_15 = tpu.matmul %sub3A, %get3A_14, %dot_general3A {dimension_numbers = #tpu.dot_dimension_numbers<[1], [0], [0], [1], [0, 0, 1, 1], [], []>, transpose_lhs_hint = false} : vector<2000x128xf32>, vector<128x128xf32>, vector<2000x128xf32> -> vector<2000x128xf32>
    %get3A_16 = arith.constant 0 : index
    %get3A_17 = arith.constant 0 : index
    %get3A_18 = vector.load %arg5[%get3A_16, %get3A_17] : memref<1x128xf32, #tpu.memory_space<vmem>>, vector<1x128xf32>
    %add3A_19 = vector.broadcast %get3A_18 : vector<1x128xf32> to vector<2000x128xf32>
    %add3A_20 = arith.addf %dot_general3A_15, %add3A_19 : vector<2000x128xf32>
    %max3A = arith.constant 0.000000e+00 : f32
    %max3A_21 = vector.broadcast %max3A : f32 to vector<2000x128xf32>
    %max3A_22 = arith.maximumf %add3A_20, %max3A_21 : vector<2000x128xf32>
    %get3A_23 = arith.constant 0 : index
    %get3A_24 = arith.constant 0 : index
    %get3A_25 = vector.load %arg6[%get3A_23, %get3A_24] : memref<128x128xf32, #tpu.memory_space<vmem>>, vector<128x128xf32>
    %dot_general3A_26 = arith.constant dense<0.000000e+00> : vector<2000x128xf32>
    %dot_general3A_27 = tpu.matmul %max3A_22, %get3A_25, %dot_general3A_26 {dimension_numbers = #tpu.dot_dimension_numbers<[1], [0], [0], [1], [0, 0, 1, 1], [], []>, transpose_lhs_hint = false} : vector<2000x128xf32>, vector<128x128xf32>, vector<2000x128xf32> -> vector<2000x128xf32>
    %get3A_28 = arith.constant 0 : index
    %get3A_29 = arith.constant 0 : index
    %get3A_30 = vector.load %arg7[%get3A_28, %get3A_29] : memref<1x128xf32, #tpu.memory_space<vmem>>, vector<1x128xf32>
    %add3A_31 = vector.broadcast %get3A_30 : vector<1x128xf32> to vector<2000x128xf32>
    %add3A_32 = arith.addf %dot_general3A_27, %add3A_31 : vector<2000x128xf32>
    %max3A_33 = arith.constant 0.000000e+00 : f32
    %max3A_34 = vector.broadcast %max3A_33 : f32 to vector<2000x128xf32>
    %max3A_35 = arith.maximumf %add3A_32, %max3A_34 : vector<2000x128xf32>
    %swap3A = arith.constant 0 : index
    %swap3A_36 = arith.constant 0 : index
    %swap3A_37 = vector.load %arg8[%swap3A, %swap3A_36] : memref<2000x128xf32, #tpu.memory_space<vmem>>, vector<2000x128xf32>
    tpu.vector_store %arg8[%swap3A, %swap3A_36], %max3A_35 {strides = array<i32>} : memref<2000x128xf32, #tpu.memory_space<vmem>>, vector<2000x128xf32>,
    %swap3A_38 = arith.constant 0 : index
    %swap3A_39 = arith.constant 0 : index
    %swap3A_40 = vector.load %arg9[%swap3A_38, %swap3A_39] : memref<2000x128xf32, #tpu.memory_space<vmem>>, vector<2000x128xf32>
    tpu.vector_store %arg9[%swap3A_38, %swap3A_39], %max3A_35 {strides = array<i32>} : memref<2000x128xf32, #tpu.memory_space<vmem>>, vector<2000x128xf32>,
    %get3A_41 = arith.constant 0 : index
    %get3A_42 = arith.constant 0 : index
    %get3A_43 = vector.load %arg3[%get3A_41, %get3A_42] : memref<2000x1xi32, #tpu.memory_space<vmem>>, vector<2000x1xi32>
    %iota3A = tpu.iota {dimensions = array<i32: 1>} : vector<2000x128xi32>
    %eq3A = vector.broadcast %get3A_43 : vector<2000x1xi32> to vector<2000x128xi32>
    %eq3A_44 = arith.cmpi eq, %eq3A, %iota3A : vector<2000x128xi32>
    %convert_element_type3A = arith.extui %eq3A_44 : vector<2000x128xi1> to vector<2000x128xi32>
    %convert_element_type3A_45 = arith.sitofp %convert_element_type3A : vector<2000x128xi32> to vector<2000x128xf32>
    %dot_general3A_46 = arith.constant dense<0.000000e+00> : vector<128x128xf32>
    %dot_general3A_47 = tpu.matmul %convert_element_type3A_45, %max3A_35, %dot_general3A_46 {dimension_numbers = #tpu.dot_dimension_numbers<[0], [0], [1], [1], [0, 1, 1, 1], [], []>, transpose_lhs_hint = false} : vector<2000x128xf32>, vector<2000x128xf32>, vector<128x128xf32> -> vector<128x128xf32>
    %broadcast_in_dim3A = arith.constant 1.000000e+00 : f32
    %broadcast_in_dim3A_48 = vector.broadcast %broadcast_in_dim3A : f32 to vector<2000x1xf32>
    %dot_general3A_49 = arith.constant dense<0.000000e+00> : vector<128x1xf32>
    %dot_general3A_50 = tpu.matmul %convert_element_type3A_45, %broadcast_in_dim3A_48, %dot_general3A_49 {dimension_numbers = #tpu.dot_dimension_numbers<[0], [0], [1], [1], [0, 1, 1, 1], [], []>, transpose_lhs_hint = false} : vector<2000x128xf32>, vector<2000x1xf32>, vector<128x1xf32> -> vector<128x1xf32>
    %eq3A_51 = arith.constant 0 : i32
    %eq3A_52 = arith.cmpi eq, %arg0, %eq3A_51 : i32
    %convert_element_type3A_53 = arith.extui %eq3A_52 : i1 to i32
    %cond3A = arith.constant 0 : i32
    %cond3A_54 = arith.cmpi ne, %convert_element_type3A_53, %cond3A : i32
    scf.if %cond3A_54 {
      %swap3A_64 = arith.constant 0 : index
      %swap3A_65 = arith.constant 0 : index
      %swap3A_66 = vector.load %arg11[%swap3A_64, %swap3A_65] : memref<128x128xf32, #tpu.memory_space<vmem>>, vector<128x128xf32>
      tpu.vector_store %arg11[%swap3A_64, %swap3A_65], %dot_general3A_47 {strides = array<i32>} : memref<128x128xf32, #tpu.memory_space<vmem>>, vector<128x128xf32>,
      %swap3A_67 = arith.constant 0 : index
      %swap3A_68 = arith.constant 0 : index
      %swap3A_69 = vector.load %arg12[%swap3A_67, %swap3A_68] : memref<128x1xf32, #tpu.memory_space<vmem>>, vector<128x1xf32>
      tpu.vector_store %arg12[%swap3A_67, %swap3A_68], %dot_general3A_50 {strides = array<i32>} : memref<128x1xf32, #tpu.memory_space<vmem>>, vector<128x1xf32>,
    } else {
    }
    %gt3A = arith.constant 0 : i32
    %gt3A_55 = arith.cmpi sgt, %arg0, %gt3A : i32
    %convert_element_type3A_56 = arith.extui %gt3A_55 : i1 to i32
    %cond3A_57 = arith.constant 0 : i32
    %cond3A_58 = arith.cmpi ne, %convert_element_type3A_56, %cond3A_57 : i32
    scf.if %cond3A_58 {
      %get3A_64 = arith.constant 0 : index
      %get3A_65 = arith.constant 0 : index
      %get3A_66 = vector.load %arg11[%get3A_64, %get3A_65] : memref<128x128xf32, #tpu.memory_space<vmem>>, vector<128x128xf32>
      %add3A_67 = arith.addf %get3A_66, %dot_general3A_47 : vector<128x128xf32>
      %swap3A_68 = arith.constant 0 : index
      %swap3A_69 = arith.constant 0 : index
      %swap3A_70 = vector.load %arg11[%swap3A_68, %swap3A_69] : memref<128x128xf32, #tpu.memory_space<vmem>>, vector<128x128xf32>
      tpu.vector_store %arg11[%swap3A_68, %swap3A_69], %add3A_67 {strides = array<i32>} : memref<128x128xf32, #tpu.memory_space<vmem>>, vector<128x128xf32>,
      %get3A_71 = arith.constant 0 : index
      %get3A_72 = arith.constant 0 : index
      %get3A_73 = vector.load %arg12[%get3A_71, %get3A_72] : memref<128x1xf32, #tpu.memory_space<vmem>>, vector<128x1xf32>
      %add3A_74 = arith.addf %get3A_73, %dot_general3A_50 : vector<128x1xf32>
      %swap3A_75 = arith.constant 0 : index
      %swap3A_76 = arith.constant 0 : index
      %swap3A_77 = vector.load %arg12[%swap3A_75, %swap3A_76] : memref<128x1xf32, #tpu.memory_space<vmem>>, vector<128x1xf32>
      tpu.vector_store %arg12[%swap3A_75, %swap3A_76], %add3A_74 {strides = array<i32>} : memref<128x1xf32, #tpu.memory_space<vmem>>, vector<128x1xf32>,
    } else {
    }
    %eq3A_59 = arith.constant 4 : i32
    %eq3A_60 = arith.cmpi eq, %arg0, %eq3A_59 : i32
    %convert_element_type3A_61 = arith.extui %eq3A_60 : i1 to i32
    %cond3A_62 = arith.constant 0 : i32
    %cond3A_63 = arith.cmpi ne, %convert_element_type3A_61, %cond3A_62 : i32
    scf.if %cond3A_63 {
      %get3A_64 = arith.constant 0 : index
      %get3A_65 = arith.constant 0 : index
      %get3A_66 = vector.load %arg11[%get3A_64, %get3A_65] : memref<128x128xf32, #tpu.memory_space<vmem>>, vector<128x128xf32>
      %get3A_67 = arith.constant 0 : index
      %get3A_68 = arith.constant 0 : index
      %get3A_69 = vector.load %arg12[%get3A_67, %get3A_68] : memref<128x1xf32, #tpu.memory_space<vmem>>, vector<128x1xf32>
      %max3A_70 = arith.constant 1.000000e+00 : f32
      %max3A_71 = vector.broadcast %max3A_70 : f32 to vector<128x1xf32>
      %max3A_72 = arith.maximumf %get3A_69, %max3A_71 : vector<128x1xf32>
      %div3A = vector.broadcast %max3A_72 : vector<128x1xf32> to vector<128x128xf32>
      %div3A_73 = arith.divf %get3A_66, %div3A : vector<128x128xf32>
      %swap3A_74 = arith.constant 0 : index
      %swap3A_75 = arith.constant 0 : index
      %swap3A_76 = vector.load %arg10[%swap3A_74, %swap3A_75] : memref<128x128xf32, #tpu.memory_space<vmem>>, vector<128x128xf32>
      tpu.vector_store %arg10[%swap3A_74, %swap3A_75], %div3A_73 {strides = array<i32>} : memref<128x128xf32, #tpu.memory_space<vmem>>, vector<128x128xf32>,
    } else {
    }
    return
  }
  func.func @transform_0(%arg0: i32) -> (i32, i32, i32) {
    %c0_i32 = arith.constant 0 : i32
    %c0_i32_0 = arith.constant 0 : i32
    %c0_i32_1 = arith.constant 0 : i32
    return %c0_i32, %arg0, %c0_i32_0 : i32, i32, i32
  }
  func.func @transform_1(%arg0: i32) -> (i32, i32) {
    %c0_i32 = arith.constant 0 : i32
    %c0_i32_0 = arith.constant 0 : i32
    return %arg0, %c0_i32 : i32, i32
  }
  func.func @transform_2(%arg0: i32) -> (i32, i32) {
    %c0_i32 = arith.constant 0 : i32
    %c0_i32_0 = arith.constant 0 : i32
    return %arg0, %c0_i32 : i32, i32
  }
  func.func @transform_3(%arg0: i32) -> (i32, i32) {
    %c0_i32 = arith.constant 0 : i32
    %c0_i32_0 = arith.constant 0 : i32
    %c0_i32_1 = arith.constant 0 : i32
    return %c0_i32, %c0_i32_0 : i32, i32
  }
  func.func @transform_4(%arg0: i32) -> (i32, i32) {
    %c0_i32 = arith.constant 0 : i32
    %c0_i32_0 = arith.constant 0 : i32
    %c0_i32_1 = arith.constant 0 : i32
    return %c0_i32, %c0_i32_0 : i32, i32
  }
  func.func @transform_5(%arg0: i32) -> (i32, i32) {
    %c0_i32 = arith.constant 0 : i32
    %c0_i32_0 = arith.constant 0 : i32
    %c0_i32_1 = arith.constant 0 : i32
    return %c0_i32, %c0_i32_0 : i32, i32
  }
  func.func @transform_6(%arg0: i32) -> (i32, i32) {
    %c0_i32 = arith.constant 0 : i32
    %c0_i32_0 = arith.constant 0 : i32
    %c0_i32_1 = arith.constant 0 : i32
    return %c0_i32, %c0_i32_0 : i32, i32
  }
  func.func @transform_7(%arg0: i32) -> (i32, i32) {
    %c0_i32 = arith.constant 0 : i32
    %c0_i32_0 = arith.constant 0 : i32
    return %arg0, %c0_i32 : i32, i32
  }
  func.func @transform_8(%arg0: i32) -> (i32, i32) {
    %c0_i32 = arith.constant 0 : i32
    %c0_i32_0 = arith.constant 0 : i32
    return %arg0, %c0_i32 : i32, i32
  }
  func.func @transform_9(%arg0: i32) -> (i32, i32) {
    %c0_i32 = arith.constant 0 : i32
    %c0_i32_0 = arith.constant 0 : i32
    %c0_i32_1 = arith.constant 0 : i32
    return %c0_i32, %c0_i32_0 : i32, i32
  }
}

module attributes {stable_mosaic.version = 14 : i64} {
  func.func @body(%arg0: i32, %arg1: memref<2x2000x128xf32, #tpu.memory_space<vmem>>, %arg2: memref<2000x128xf32, #tpu.memory_space<vmem>>, %arg3: memref<2000x1xi32, #tpu.memory_space<vmem>>, %arg4: memref<128x128xf32, #tpu.memory_space<vmem>>, %arg5: memref<1x128xf32, #tpu.memory_space<vmem>>, %arg6: memref<128x128xf32, #tpu.memory_space<vmem>>, %arg7: memref<1x128xf32, #tpu.memory_space<vmem>>, %arg8: memref<10000x384xf32, #tpu.memory_space<any>>, %arg9: memref<128x384xf32, #tpu.memory_space<any>>, %arg10: memref<2000x128xf32, #tpu.memory_space<vmem>>, %arg11: memref<2000x128xf32, #tpu.memory_space<vmem>>, %arg12: memref<128x128xf32, #tpu.memory_space<vmem>>, %arg13: memref<128x128xf32, #tpu.memory_space<vmem>>, %arg14: memref<128x1xf32, #tpu.memory_space<vmem>>) attributes {dimension_semantics = [#tpu.dimension_semantics<arbitrary>], iteration_bounds = array<i64: 5>, scalar_prefetch = 0 : i64, scratch_operands = 2 : i64, tpu.core_type = #tpu.core_type<tc>, window_params = [{transform_indices = @transform_0, window_bounds = array<i64: 2, 2000, 128>}, {transform_indices = @transform_1, window_bounds = array<i64: 2000, 128>}, {transform_indices = @transform_2, window_bounds = array<i64: 2000, 1>}, {pipeline_mode = #tpu.pipeline_mode<synchronous>, transform_indices = @transform_3, window_bounds = array<i64: 128, 128>}, {pipeline_mode = #tpu.pipeline_mode<synchronous>, transform_indices = @transform_4, window_bounds = array<i64: 1, 128>}, {pipeline_mode = #tpu.pipeline_mode<synchronous>, transform_indices = @transform_5, window_bounds = array<i64: 128, 128>}, {pipeline_mode = #tpu.pipeline_mode<synchronous>, transform_indices = @transform_6, window_bounds = array<i64: 1, 128>}, {}, {}, {transform_indices = @transform_9, window_bounds = array<i64: 2000, 128>}, {transform_indices = @transform_10, window_bounds = array<i64: 2000, 128>}, {transform_indices = @transform_11, window_bounds = array<i64: 128, 128>}]} {
    %get3A = arith.constant 0 : index
    %get3A_0 = arith.constant 0 : index
    %get3A_1 = arith.constant 0 : index
    %get3A_2 = vector.load %arg1[%get3A, %get3A_0, %get3A_1] : memref<2x2000x128xf32, #tpu.memory_space<vmem>>, vector<1x2000x128xf32>
    %get3A_3 = vector.shape_cast %get3A_2 : vector<1x2000x128xf32> to vector<2000x128xf32>
    %get3A_4 = arith.constant 1 : index
    %get3A_5 = arith.constant 0 : index
    %get3A_6 = arith.constant 0 : index
    %get3A_7 = vector.load %arg1[%get3A_4, %get3A_5, %get3A_6] : memref<2x2000x128xf32, #tpu.memory_space<vmem>>, vector<1x2000x128xf32>
    %get3A_8 = vector.shape_cast %get3A_7 : vector<1x2000x128xf32> to vector<2000x128xf32>
    %add3A = arith.addf %get3A_3, %get3A_8 : vector<2000x128xf32>
    %get3A_9 = arith.constant 0 : index
    %get3A_10 = arith.constant 0 : index
    %get3A_11 = vector.load %arg2[%get3A_9, %get3A_10] : memref<2000x128xf32, #tpu.memory_space<vmem>>, vector<2000x128xf32>
    %sub3A = arith.subf %add3A, %get3A_11 : vector<2000x128xf32>
    %get3A_12 = arith.constant 0 : index
    %get3A_13 = arith.constant 0 : index
    %get3A_14 = vector.load %arg4[%get3A_12, %get3A_13] : memref<128x128xf32, #tpu.memory_space<vmem>>, vector<128x128xf32>
    %dot_general3A = arith.constant dense<0.000000e+00> : vector<2000x128xf32>
    %dot_general3A_15 = tpu.matmul %sub3A, %get3A_14, %dot_general3A {dimension_numbers = #tpu.dot_dimension_numbers<[1], [0], [0], [1], [0, 0, 1, 1], [], []>, transpose_lhs_hint = false} : vector<2000x128xf32>, vector<128x128xf32>, vector<2000x128xf32> -> vector<2000x128xf32>
    %get3A_16 = arith.constant 0 : index
    %get3A_17 = arith.constant 0 : index
    %get3A_18 = vector.load %arg5[%get3A_16, %get3A_17] : memref<1x128xf32, #tpu.memory_space<vmem>>, vector<1x128xf32>
    %add3A_19 = vector.broadcast %get3A_18 : vector<1x128xf32> to vector<2000x128xf32>
    %add3A_20 = arith.addf %dot_general3A_15, %add3A_19 : vector<2000x128xf32>
    %max3A = arith.constant 0.000000e+00 : f32
    %max3A_21 = vector.broadcast %max3A : f32 to vector<2000x128xf32>
    %max3A_22 = arith.maximumf %add3A_20, %max3A_21 : vector<2000x128xf32>
    %get3A_23 = arith.constant 0 : index
    %get3A_24 = arith.constant 0 : index
    %get3A_25 = vector.load %arg6[%get3A_23, %get3A_24] : memref<128x128xf32, #tpu.memory_space<vmem>>, vector<128x128xf32>
    %dot_general3A_26 = arith.constant dense<0.000000e+00> : vector<2000x128xf32>
    %dot_general3A_27 = tpu.matmul %max3A_22, %get3A_25, %dot_general3A_26 {dimension_numbers = #tpu.dot_dimension_numbers<[1], [0], [0], [1], [0, 0, 1, 1], [], []>, transpose_lhs_hint = false} : vector<2000x128xf32>, vector<128x128xf32>, vector<2000x128xf32> -> vector<2000x128xf32>
    %get3A_28 = arith.constant 0 : index
    %get3A_29 = arith.constant 0 : index
    %get3A_30 = vector.load %arg7[%get3A_28, %get3A_29] : memref<1x128xf32, #tpu.memory_space<vmem>>, vector<1x128xf32>
    %add3A_31 = vector.broadcast %get3A_30 : vector<1x128xf32> to vector<2000x128xf32>
    %add3A_32 = arith.addf %dot_general3A_27, %add3A_31 : vector<2000x128xf32>
    %max3A_33 = arith.constant 0.000000e+00 : f32
    %max3A_34 = vector.broadcast %max3A_33 : f32 to vector<2000x128xf32>
    %max3A_35 = arith.maximumf %add3A_32, %max3A_34 : vector<2000x128xf32>
    %swap3A = arith.constant 0 : index
    %swap3A_36 = arith.constant 0 : index
    %swap3A_37 = vector.load %arg10[%swap3A, %swap3A_36] : memref<2000x128xf32, #tpu.memory_space<vmem>>, vector<2000x128xf32>
    tpu.vector_store %arg10[%swap3A, %swap3A_36], %max3A_35 {strides = array<i32>} : memref<2000x128xf32, #tpu.memory_space<vmem>>, vector<2000x128xf32>,
    %swap3A_38 = arith.constant 0 : index
    %swap3A_39 = arith.constant 0 : index
    %swap3A_40 = vector.load %arg11[%swap3A_38, %swap3A_39] : memref<2000x128xf32, #tpu.memory_space<vmem>>, vector<2000x128xf32>
    tpu.vector_store %arg11[%swap3A_38, %swap3A_39], %max3A_35 {strides = array<i32>} : memref<2000x128xf32, #tpu.memory_space<vmem>>, vector<2000x128xf32>,
    %get3A_41 = arith.constant 0 : index
    %get3A_42 = arith.constant 0 : index
    %get3A_43 = vector.load %arg3[%get3A_41, %get3A_42] : memref<2000x1xi32, #tpu.memory_space<vmem>>, vector<2000x1xi32>
    %iota3A = tpu.iota {dimensions = array<i32: 1>} : vector<2000x128xi32>
    %eq3A = vector.broadcast %get3A_43 : vector<2000x1xi32> to vector<2000x128xi32>
    %eq3A_44 = arith.cmpi eq, %eq3A, %iota3A : vector<2000x128xi32>
    %convert_element_type3A = arith.extui %eq3A_44 : vector<2000x128xi1> to vector<2000x128xi32>
    %convert_element_type3A_45 = arith.sitofp %convert_element_type3A : vector<2000x128xi32> to vector<2000x128xf32>
    %dot_general3A_46 = arith.constant dense<0.000000e+00> : vector<128x128xf32>
    %dot_general3A_47 = tpu.matmul %convert_element_type3A_45, %max3A_35, %dot_general3A_46 {dimension_numbers = #tpu.dot_dimension_numbers<[0], [0], [1], [1], [0, 1, 1, 1], [], []>, transpose_lhs_hint = false} : vector<2000x128xf32>, vector<2000x128xf32>, vector<128x128xf32> -> vector<128x128xf32>
    %broadcast_in_dim3A = arith.constant 1.000000e+00 : f32
    %broadcast_in_dim3A_48 = vector.broadcast %broadcast_in_dim3A : f32 to vector<2000x1xf32>
    %dot_general3A_49 = arith.constant dense<0.000000e+00> : vector<128x1xf32>
    %dot_general3A_50 = tpu.matmul %convert_element_type3A_45, %broadcast_in_dim3A_48, %dot_general3A_49 {dimension_numbers = #tpu.dot_dimension_numbers<[0], [0], [1], [1], [0, 1, 1, 1], [], []>, transpose_lhs_hint = false} : vector<2000x128xf32>, vector<2000x1xf32>, vector<128x1xf32> -> vector<128x1xf32>
    %eq3A_51 = arith.constant 0 : i32
    %eq3A_52 = arith.cmpi eq, %arg0, %eq3A_51 : i32
    %convert_element_type3A_53 = arith.extui %eq3A_52 : i1 to i32
    %cond3A = arith.constant 0 : i32
    %cond3A_54 = arith.cmpi ne, %convert_element_type3A_53, %cond3A : i32
    scf.if %cond3A_54 {
      %swap3A_64 = arith.constant 0 : index
      %swap3A_65 = arith.constant 0 : index
      %swap3A_66 = vector.load %arg13[%swap3A_64, %swap3A_65] : memref<128x128xf32, #tpu.memory_space<vmem>>, vector<128x128xf32>
      tpu.vector_store %arg13[%swap3A_64, %swap3A_65], %dot_general3A_47 {strides = array<i32>} : memref<128x128xf32, #tpu.memory_space<vmem>>, vector<128x128xf32>,
      %swap3A_67 = arith.constant 0 : index
      %swap3A_68 = arith.constant 0 : index
      %swap3A_69 = vector.load %arg14[%swap3A_67, %swap3A_68] : memref<128x1xf32, #tpu.memory_space<vmem>>, vector<128x1xf32>
      tpu.vector_store %arg14[%swap3A_67, %swap3A_68], %dot_general3A_50 {strides = array<i32>} : memref<128x1xf32, #tpu.memory_space<vmem>>, vector<128x1xf32>,
    } else {
    }
    %gt3A = arith.constant 0 : i32
    %gt3A_55 = arith.cmpi sgt, %arg0, %gt3A : i32
    %convert_element_type3A_56 = arith.extui %gt3A_55 : i1 to i32
    %cond3A_57 = arith.constant 0 : i32
    %cond3A_58 = arith.cmpi ne, %convert_element_type3A_56, %cond3A_57 : i32
    scf.if %cond3A_58 {
      %get3A_64 = arith.constant 0 : index
      %get3A_65 = arith.constant 0 : index
      %get3A_66 = vector.load %arg13[%get3A_64, %get3A_65] : memref<128x128xf32, #tpu.memory_space<vmem>>, vector<128x128xf32>
      %add3A_67 = arith.addf %get3A_66, %dot_general3A_47 : vector<128x128xf32>
      %swap3A_68 = arith.constant 0 : index
      %swap3A_69 = arith.constant 0 : index
      %swap3A_70 = vector.load %arg13[%swap3A_68, %swap3A_69] : memref<128x128xf32, #tpu.memory_space<vmem>>, vector<128x128xf32>
      tpu.vector_store %arg13[%swap3A_68, %swap3A_69], %add3A_67 {strides = array<i32>} : memref<128x128xf32, #tpu.memory_space<vmem>>, vector<128x128xf32>,
      %get3A_71 = arith.constant 0 : index
      %get3A_72 = arith.constant 0 : index
      %get3A_73 = vector.load %arg14[%get3A_71, %get3A_72] : memref<128x1xf32, #tpu.memory_space<vmem>>, vector<128x1xf32>
      %add3A_74 = arith.addf %get3A_73, %dot_general3A_50 : vector<128x1xf32>
      %swap3A_75 = arith.constant 0 : index
      %swap3A_76 = arith.constant 0 : index
      %swap3A_77 = vector.load %arg14[%swap3A_75, %swap3A_76] : memref<128x1xf32, #tpu.memory_space<vmem>>, vector<128x1xf32>
      tpu.vector_store %arg14[%swap3A_75, %swap3A_76], %add3A_74 {strides = array<i32>} : memref<128x1xf32, #tpu.memory_space<vmem>>, vector<128x1xf32>,
    } else {
    }
    %eq3A_59 = arith.constant 4 : i32
    %eq3A_60 = arith.cmpi eq, %arg0, %eq3A_59 : i32
    %convert_element_type3A_61 = arith.extui %eq3A_60 : i1 to i32
    %cond3A_62 = arith.constant 0 : i32
    %cond3A_63 = arith.cmpi ne, %convert_element_type3A_61, %cond3A_62 : i32
    scf.if %cond3A_63 {
      %get3A_64 = arith.constant 0 : index
      %get3A_65 = arith.constant 0 : index
      %get3A_66 = vector.load %arg13[%get3A_64, %get3A_65] : memref<128x128xf32, #tpu.memory_space<vmem>>, vector<128x128xf32>
      %get3A_67 = arith.constant 0 : index
      %get3A_68 = arith.constant 0 : index
      %get3A_69 = vector.load %arg14[%get3A_67, %get3A_68] : memref<128x1xf32, #tpu.memory_space<vmem>>, vector<128x1xf32>
      %max3A_70 = arith.constant 1.000000e+00 : f32
      %max3A_71 = vector.broadcast %max3A_70 : f32 to vector<128x1xf32>
      %max3A_72 = arith.maximumf %get3A_69, %max3A_71 : vector<128x1xf32>
      %div3A = vector.broadcast %max3A_72 : vector<128x1xf32> to vector<128x128xf32>
      %div3A_73 = arith.divf %get3A_66, %div3A : vector<128x128xf32>
      %swap3A_74 = arith.constant 0 : index
      %swap3A_75 = arith.constant 0 : index
      %swap3A_76 = vector.load %arg12[%swap3A_74, %swap3A_75] : memref<128x128xf32, #tpu.memory_space<vmem>>, vector<128x128xf32>
      tpu.vector_store %arg12[%swap3A_74, %swap3A_75], %div3A_73 {strides = array<i32>} : memref<128x128xf32, #tpu.memory_space<vmem>>, vector<128x128xf32>,
    } else {
    }
    return
  }
  func.func @transform_0(%arg0: i32) -> (i32, i32, i32) {
    %c0_i32 = arith.constant 0 : i32
    %c0_i32_0 = arith.constant 0 : i32
    %c0_i32_1 = arith.constant 0 : i32
    return %c0_i32, %arg0, %c0_i32_0 : i32, i32, i32
  }
  func.func @transform_1(%arg0: i32) -> (i32, i32) {
    %c0_i32 = arith.constant 0 : i32
    %c0_i32_0 = arith.constant 0 : i32
    return %arg0, %c0_i32 : i32, i32
  }
  func.func @transform_2(%arg0: i32) -> (i32, i32) {
    %c0_i32 = arith.constant 0 : i32
    %c0_i32_0 = arith.constant 0 : i32
    return %arg0, %c0_i32 : i32, i32
  }
  func.func @transform_3(%arg0: i32) -> (i32, i32) {
    %c0_i32 = arith.constant 0 : i32
    %c0_i32_0 = arith.constant 0 : i32
    %c0_i32_1 = arith.constant 0 : i32
    return %c0_i32, %c0_i32_0 : i32, i32
  }
  func.func @transform_4(%arg0: i32) -> (i32, i32) {
    %c0_i32 = arith.constant 0 : i32
    %c0_i32_0 = arith.constant 0 : i32
    %c0_i32_1 = arith.constant 0 : i32
    return %c0_i32, %c0_i32_0 : i32, i32
  }
  func.func @transform_5(%arg0: i32) -> (i32, i32) {
    %c0_i32 = arith.constant 0 : i32
    %c0_i32_0 = arith.constant 0 : i32
    %c0_i32_1 = arith.constant 0 : i32
    return %c0_i32, %c0_i32_0 : i32, i32
  }
  func.func @transform_6(%arg0: i32) -> (i32, i32) {
    %c0_i32 = arith.constant 0 : i32
    %c0_i32_0 = arith.constant 0 : i32
    %c0_i32_1 = arith.constant 0 : i32
    return %c0_i32, %c0_i32_0 : i32, i32
  }
  func.func @transform_9(%arg0: i32) -> (i32, i32) {
    %c0_i32 = arith.constant 0 : i32
    %c0_i32_0 = arith.constant 0 : i32
    return %arg0, %c0_i32 : i32, i32
  }
  func.func @transform_10(%arg0: i32) -> (i32, i32) {
    %c1_i32 = arith.constant 1 : i32
    %c0_i32 = arith.constant 0 : i32
    return %arg0, %c1_i32 : i32, i32
  }
  func.func @transform_11(%arg0: i32) -> (i32, i32) {
    %c0_i32 = arith.constant 0 : i32
    %c1_i32 = arith.constant 1 : i32
    %c0_i32_0 = arith.constant 0 : i32
    return %c0_i32, %c1_i32 : i32, i32
  }
}

module attributes {stable_mosaic.version = 14 : i64} {
  func.func @body(%arg0: i32, %arg1: memref<2x2000x128xf32, #tpu.memory_space<vmem>>, %arg2: memref<2000x128xf32, #tpu.memory_space<vmem>>, %arg3: memref<2000x1xi32, #tpu.memory_space<vmem>>, %arg4: memref<128x128xf32, #tpu.memory_space<vmem>>, %arg5: memref<1x128xf32, #tpu.memory_space<vmem>>, %arg6: memref<128x128xf32, #tpu.memory_space<vmem>>, %arg7: memref<1x128xf32, #tpu.memory_space<vmem>>, %arg8: memref<10000x384xf32, #tpu.memory_space<any>>, %arg9: memref<128x384xf32, #tpu.memory_space<any>>, %arg10: memref<2000x128xf32, #tpu.memory_space<vmem>>, %arg11: memref<128x128xf32, #tpu.memory_space<vmem>>, %arg12: memref<128x128xf32, #tpu.memory_space<vmem>>, %arg13: memref<128x1xf32, #tpu.memory_space<vmem>>) attributes {dimension_semantics = [#tpu.dimension_semantics<arbitrary>], iteration_bounds = array<i64: 5>, scalar_prefetch = 0 : i64, scratch_operands = 2 : i64, tpu.core_type = #tpu.core_type<tc>, window_params = [{transform_indices = @transform_0, window_bounds = array<i64: 2, 2000, 128>}, {transform_indices = @transform_1, window_bounds = array<i64: 2000, 128>}, {transform_indices = @transform_2, window_bounds = array<i64: 2000, 1>}, {pipeline_mode = #tpu.pipeline_mode<synchronous>, transform_indices = @transform_3, window_bounds = array<i64: 128, 128>}, {pipeline_mode = #tpu.pipeline_mode<synchronous>, transform_indices = @transform_4, window_bounds = array<i64: 1, 128>}, {pipeline_mode = #tpu.pipeline_mode<synchronous>, transform_indices = @transform_5, window_bounds = array<i64: 128, 128>}, {pipeline_mode = #tpu.pipeline_mode<synchronous>, transform_indices = @transform_6, window_bounds = array<i64: 1, 128>}, {}, {}, {transform_indices = @transform_9, window_bounds = array<i64: 2000, 128>}, {transform_indices = @transform_10, window_bounds = array<i64: 128, 128>}]} {
    %get3A = arith.constant 0 : index
    %get3A_0 = arith.constant 0 : index
    %get3A_1 = arith.constant 0 : index
    %get3A_2 = vector.load %arg1[%get3A, %get3A_0, %get3A_1] : memref<2x2000x128xf32, #tpu.memory_space<vmem>>, vector<1x2000x128xf32>
    %get3A_3 = vector.shape_cast %get3A_2 : vector<1x2000x128xf32> to vector<2000x128xf32>
    %get3A_4 = arith.constant 1 : index
    %get3A_5 = arith.constant 0 : index
    %get3A_6 = arith.constant 0 : index
    %get3A_7 = vector.load %arg1[%get3A_4, %get3A_5, %get3A_6] : memref<2x2000x128xf32, #tpu.memory_space<vmem>>, vector<1x2000x128xf32>
    %get3A_8 = vector.shape_cast %get3A_7 : vector<1x2000x128xf32> to vector<2000x128xf32>
    %add3A = arith.addf %get3A_3, %get3A_8 : vector<2000x128xf32>
    %get3A_9 = arith.constant 0 : index
    %get3A_10 = arith.constant 0 : index
    %get3A_11 = vector.load %arg2[%get3A_9, %get3A_10] : memref<2000x128xf32, #tpu.memory_space<vmem>>, vector<2000x128xf32>
    %sub3A = arith.subf %add3A, %get3A_11 : vector<2000x128xf32>
    %get3A_12 = arith.constant 0 : index
    %get3A_13 = arith.constant 0 : index
    %get3A_14 = vector.load %arg4[%get3A_12, %get3A_13] : memref<128x128xf32, #tpu.memory_space<vmem>>, vector<128x128xf32>
    %dot_general3A = arith.constant dense<0.000000e+00> : vector<2000x128xf32>
    %dot_general3A_15 = tpu.matmul %sub3A, %get3A_14, %dot_general3A {dimension_numbers = #tpu.dot_dimension_numbers<[1], [0], [0], [1], [0, 0, 1, 1], [], []>, transpose_lhs_hint = false} : vector<2000x128xf32>, vector<128x128xf32>, vector<2000x128xf32> -> vector<2000x128xf32>
    %get3A_16 = arith.constant 0 : index
    %get3A_17 = arith.constant 0 : index
    %get3A_18 = vector.load %arg5[%get3A_16, %get3A_17] : memref<1x128xf32, #tpu.memory_space<vmem>>, vector<1x128xf32>
    %add3A_19 = vector.broadcast %get3A_18 : vector<1x128xf32> to vector<2000x128xf32>
    %add3A_20 = arith.addf %dot_general3A_15, %add3A_19 : vector<2000x128xf32>
    %max3A = arith.constant 0.000000e+00 : f32
    %max3A_21 = vector.broadcast %max3A : f32 to vector<2000x128xf32>
    %max3A_22 = arith.maximumf %add3A_20, %max3A_21 : vector<2000x128xf32>
    %get3A_23 = arith.constant 0 : index
    %get3A_24 = arith.constant 0 : index
    %get3A_25 = vector.load %arg6[%get3A_23, %get3A_24] : memref<128x128xf32, #tpu.memory_space<vmem>>, vector<128x128xf32>
    %dot_general3A_26 = arith.constant dense<0.000000e+00> : vector<2000x128xf32>
    %dot_general3A_27 = tpu.matmul %max3A_22, %get3A_25, %dot_general3A_26 {dimension_numbers = #tpu.dot_dimension_numbers<[1], [0], [0], [1], [0, 0, 1, 1], [], []>, transpose_lhs_hint = false} : vector<2000x128xf32>, vector<128x128xf32>, vector<2000x128xf32> -> vector<2000x128xf32>
    %get3A_28 = arith.constant 0 : index
    %get3A_29 = arith.constant 0 : index
    %get3A_30 = vector.load %arg7[%get3A_28, %get3A_29] : memref<1x128xf32, #tpu.memory_space<vmem>>, vector<1x128xf32>
    %add3A_31 = vector.broadcast %get3A_30 : vector<1x128xf32> to vector<2000x128xf32>
    %add3A_32 = arith.addf %dot_general3A_27, %add3A_31 : vector<2000x128xf32>
    %max3A_33 = arith.constant 0.000000e+00 : f32
    %max3A_34 = vector.broadcast %max3A_33 : f32 to vector<2000x128xf32>
    %max3A_35 = arith.maximumf %add3A_32, %max3A_34 : vector<2000x128xf32>
    %swap3A = arith.constant 0 : index
    %swap3A_36 = arith.constant 0 : index
    %swap3A_37 = vector.load %arg10[%swap3A, %swap3A_36] : memref<2000x128xf32, #tpu.memory_space<vmem>>, vector<2000x128xf32>
    tpu.vector_store %arg10[%swap3A, %swap3A_36], %max3A_35 {strides = array<i32>} : memref<2000x128xf32, #tpu.memory_space<vmem>>, vector<2000x128xf32>,
    %get3A_38 = arith.constant 0 : index
    %get3A_39 = arith.constant 0 : index
    %get3A_40 = vector.load %arg3[%get3A_38, %get3A_39] : memref<2000x1xi32, #tpu.memory_space<vmem>>, vector<2000x1xi32>
    %iota3A = tpu.iota {dimensions = array<i32: 1>} : vector<2000x128xi32>
    %eq3A = vector.broadcast %get3A_40 : vector<2000x1xi32> to vector<2000x128xi32>
    %eq3A_41 = arith.cmpi eq, %eq3A, %iota3A : vector<2000x128xi32>
    %convert_element_type3A = arith.extui %eq3A_41 : vector<2000x128xi1> to vector<2000x128xi32>
    %convert_element_type3A_42 = arith.sitofp %convert_element_type3A : vector<2000x128xi32> to vector<2000x128xf32>
    %dot_general3A_43 = arith.constant dense<0.000000e+00> : vector<128x128xf32>
    %dot_general3A_44 = tpu.matmul %convert_element_type3A_42, %max3A_35, %dot_general3A_43 {dimension_numbers = #tpu.dot_dimension_numbers<[0], [0], [1], [1], [0, 1, 1, 1], [], []>, transpose_lhs_hint = false} : vector<2000x128xf32>, vector<2000x128xf32>, vector<128x128xf32> -> vector<128x128xf32>
    %broadcast_in_dim3A = arith.constant 1.000000e+00 : f32
    %broadcast_in_dim3A_45 = vector.broadcast %broadcast_in_dim3A : f32 to vector<2000x1xf32>
    %dot_general3A_46 = arith.constant dense<0.000000e+00> : vector<128x1xf32>
    %dot_general3A_47 = tpu.matmul %convert_element_type3A_42, %broadcast_in_dim3A_45, %dot_general3A_46 {dimension_numbers = #tpu.dot_dimension_numbers<[0], [0], [1], [1], [0, 1, 1, 1], [], []>, transpose_lhs_hint = false} : vector<2000x128xf32>, vector<2000x1xf32>, vector<128x1xf32> -> vector<128x1xf32>
    %eq3A_48 = arith.constant 0 : i32
    %eq3A_49 = arith.cmpi eq, %arg0, %eq3A_48 : i32
    %convert_element_type3A_50 = arith.extui %eq3A_49 : i1 to i32
    %cond3A = arith.constant 0 : i32
    %cond3A_51 = arith.cmpi ne, %convert_element_type3A_50, %cond3A : i32
    scf.if %cond3A_51 {
      %swap3A_61 = arith.constant 0 : index
      %swap3A_62 = arith.constant 0 : index
      %swap3A_63 = vector.load %arg12[%swap3A_61, %swap3A_62] : memref<128x128xf32, #tpu.memory_space<vmem>>, vector<128x128xf32>
      tpu.vector_store %arg12[%swap3A_61, %swap3A_62], %dot_general3A_44 {strides = array<i32>} : memref<128x128xf32, #tpu.memory_space<vmem>>, vector<128x128xf32>,
      %swap3A_64 = arith.constant 0 : index
      %swap3A_65 = arith.constant 0 : index
      %swap3A_66 = vector.load %arg13[%swap3A_64, %swap3A_65] : memref<128x1xf32, #tpu.memory_space<vmem>>, vector<128x1xf32>
      tpu.vector_store %arg13[%swap3A_64, %swap3A_65], %dot_general3A_47 {strides = array<i32>} : memref<128x1xf32, #tpu.memory_space<vmem>>, vector<128x1xf32>,
    } else {
    }
    %gt3A = arith.constant 0 : i32
    %gt3A_52 = arith.cmpi sgt, %arg0, %gt3A : i32
    %convert_element_type3A_53 = arith.extui %gt3A_52 : i1 to i32
    %cond3A_54 = arith.constant 0 : i32
    %cond3A_55 = arith.cmpi ne, %convert_element_type3A_53, %cond3A_54 : i32
    scf.if %cond3A_55 {
      %get3A_61 = arith.constant 0 : index
      %get3A_62 = arith.constant 0 : index
      %get3A_63 = vector.load %arg12[%get3A_61, %get3A_62] : memref<128x128xf32, #tpu.memory_space<vmem>>, vector<128x128xf32>
      %add3A_64 = arith.addf %get3A_63, %dot_general3A_44 : vector<128x128xf32>
      %swap3A_65 = arith.constant 0 : index
      %swap3A_66 = arith.constant 0 : index
      %swap3A_67 = vector.load %arg12[%swap3A_65, %swap3A_66] : memref<128x128xf32, #tpu.memory_space<vmem>>, vector<128x128xf32>
      tpu.vector_store %arg12[%swap3A_65, %swap3A_66], %add3A_64 {strides = array<i32>} : memref<128x128xf32, #tpu.memory_space<vmem>>, vector<128x128xf32>,
      %get3A_68 = arith.constant 0 : index
      %get3A_69 = arith.constant 0 : index
      %get3A_70 = vector.load %arg13[%get3A_68, %get3A_69] : memref<128x1xf32, #tpu.memory_space<vmem>>, vector<128x1xf32>
      %add3A_71 = arith.addf %get3A_70, %dot_general3A_47 : vector<128x1xf32>
      %swap3A_72 = arith.constant 0 : index
      %swap3A_73 = arith.constant 0 : index
      %swap3A_74 = vector.load %arg13[%swap3A_72, %swap3A_73] : memref<128x1xf32, #tpu.memory_space<vmem>>, vector<128x1xf32>
      tpu.vector_store %arg13[%swap3A_72, %swap3A_73], %add3A_71 {strides = array<i32>} : memref<128x1xf32, #tpu.memory_space<vmem>>, vector<128x1xf32>,
    } else {
    }
    %eq3A_56 = arith.constant 4 : i32
    %eq3A_57 = arith.cmpi eq, %arg0, %eq3A_56 : i32
    %convert_element_type3A_58 = arith.extui %eq3A_57 : i1 to i32
    %cond3A_59 = arith.constant 0 : i32
    %cond3A_60 = arith.cmpi ne, %convert_element_type3A_58, %cond3A_59 : i32
    scf.if %cond3A_60 {
      %get3A_61 = arith.constant 0 : index
      %get3A_62 = arith.constant 0 : index
      %get3A_63 = vector.load %arg12[%get3A_61, %get3A_62] : memref<128x128xf32, #tpu.memory_space<vmem>>, vector<128x128xf32>
      %get3A_64 = arith.constant 0 : index
      %get3A_65 = arith.constant 0 : index
      %get3A_66 = vector.load %arg13[%get3A_64, %get3A_65] : memref<128x1xf32, #tpu.memory_space<vmem>>, vector<128x1xf32>
      %max3A_67 = arith.constant 1.000000e+00 : f32
      %max3A_68 = vector.broadcast %max3A_67 : f32 to vector<128x1xf32>
      %max3A_69 = arith.maximumf %get3A_66, %max3A_68 : vector<128x1xf32>
      %div3A = vector.broadcast %max3A_69 : vector<128x1xf32> to vector<128x128xf32>
      %div3A_70 = arith.divf %get3A_63, %div3A : vector<128x128xf32>
      %swap3A_71 = arith.constant 0 : index
      %swap3A_72 = arith.constant 0 : index
      %swap3A_73 = vector.load %arg11[%swap3A_71, %swap3A_72] : memref<128x128xf32, #tpu.memory_space<vmem>>, vector<128x128xf32>
      tpu.vector_store %arg11[%swap3A_71, %swap3A_72], %div3A_70 {strides = array<i32>} : memref<128x128xf32, #tpu.memory_space<vmem>>, vector<128x128xf32>,
    } else {
    }
    return
  }
  func.func @transform_0(%arg0: i32) -> (i32, i32, i32) {
    %c0_i32 = arith.constant 0 : i32
    %c0_i32_0 = arith.constant 0 : i32
    %c0_i32_1 = arith.constant 0 : i32
    return %c0_i32, %arg0, %c0_i32_0 : i32, i32, i32
  }
  func.func @transform_1(%arg0: i32) -> (i32, i32) {
    %c0_i32 = arith.constant 0 : i32
    %c0_i32_0 = arith.constant 0 : i32
    return %arg0, %c0_i32 : i32, i32
  }
  func.func @transform_2(%arg0: i32) -> (i32, i32) {
    %c0_i32 = arith.constant 0 : i32
    %c0_i32_0 = arith.constant 0 : i32
    return %arg0, %c0_i32 : i32, i32
  }
  func.func @transform_3(%arg0: i32) -> (i32, i32) {
    %c0_i32 = arith.constant 0 : i32
    %c0_i32_0 = arith.constant 0 : i32
    %c0_i32_1 = arith.constant 0 : i32
    return %c0_i32, %c0_i32_0 : i32, i32
  }
  func.func @transform_4(%arg0: i32) -> (i32, i32) {
    %c0_i32 = arith.constant 0 : i32
    %c0_i32_0 = arith.constant 0 : i32
    %c0_i32_1 = arith.constant 0 : i32
    return %c0_i32, %c0_i32_0 : i32, i32
  }
  func.func @transform_5(%arg0: i32) -> (i32, i32) {
    %c0_i32 = arith.constant 0 : i32
    %c0_i32_0 = arith.constant 0 : i32
    %c0_i32_1 = arith.constant 0 : i32
    return %c0_i32, %c0_i32_0 : i32, i32
  }
  func.func @transform_6(%arg0: i32) -> (i32, i32) {
    %c0_i32 = arith.constant 0 : i32
    %c0_i32_0 = arith.constant 0 : i32
    %c0_i32_1 = arith.constant 0 : i32
    return %c0_i32, %c0_i32_0 : i32, i32
  }
  func.func @transform_9(%arg0: i32) -> (i32, i32) {
    %c2_i32 = arith.constant 2 : i32
    %c0_i32 = arith.constant 0 : i32
    return %arg0, %c2_i32 : i32, i32
  }
  func.func @transform_10(%arg0: i32) -> (i32, i32) {
    %c0_i32 = arith.constant 0 : i32
    %c2_i32 = arith.constant 2 : i32
    %c0_i32_0 = arith.constant 0 : i32
    return %c0_i32, %c2_i32 : i32, i32
  }
}

</mosaic_0001>

<sc_bundles>
// kernel: kernel.11.cloned.1.call-start
scs
__scs_entry_jumppad:
0x0: {  	(pc) =	sbr.rel $0x88, $3  }
0x1: {  	(tag) =	ssettag $0x0;
	lr =	simm.s32 $0x1  }
0x2: {  	[smem:$0x3F92] =	sst lr;
	_ =	strace $0xD0000000  }
0x3: {  	_ = 	snop  }
0x4: {  	_ = 	snop  }
0x5: {  	_ = 	snop  }
0x6: {  	_ = 	snop  }
0x7: {  	_ = 	snop  }
__scs_overlays_trampoline_lowered:
0x8: {  	[smem:$0x3FA1] =	sst s0  }
0x9: {  	[smem:$0x3FA2] =	sst s1  }
0xa: {  	[smem:$0x3FA3] =	sst s2  }
0xb: {  	[smem:$0x3FA4] =	sst s3  }
0xc: {  	[smem:$0x3FA5] =	sst s4  }
0xd: {  	[smem:$0x3FA6] =	sst s5  }
0xe: {  	[smem:$0x3FA7] =	sst s6  }
0xf: {  	[smem:$0x3FA8] =	sst s7  }
0x10: {  	[smem:$0x3FA9] =	sst s8  }
0x11: {  	[smem:$0x3FAA] =	sst s9;
	s0 =	simm.s32 @!p0 $0x0  }
0x12: {  	s1 =	sld [smem:$0x3F90];
	s0 =	simm.s32 @p0 $0x1  }
0x13: {  	[smem:$0x3FAB] =	sst s0;
	s0 =	simm.s32 @!p1 $0x0  }
0x14: {  	s2 =	sld [smem:$0x3F8F];
	s0 =	simm.s32 @p1 $0x1  }
0x15: {  	[smem:$0x3FAC] =	sst s0;
	s0 =	simm.s32 @!p2 $0x0  }
0x16: {  	s3 =	sld [smem:$0x3FDB];
	s0 =	simm.s32 @p2 $0x1  }
0x17: {  	s4 =	simm.s32 $0x1BF5;
	[smem:$0x3FAE] =	sst s0  }
0x18: {  	s0 =	sld [smem:$0x3F91];
	_ =	swait.ge [sflag:s4], $0x0  }
0x19: {  	s7 =	sld [smem:$0x3F92]  }
0x1a: {  	s8 =	sadd.s32 $0xFFFFE003, lr  }
0x1b: {  	s9 =	sadd.s32 $0xFFFFFEF7, lr;
	s5 =	simm.s32 $0xFFFFFFFF;
	p2 =	slt.u32 s8, $0xFFFFF086  }
0x1c: {  	p1 =	slt.u32 s9, $0xF7A;
	s5 =	simm.s32 @!p2 $0x0  }
0x1d: {  	s5 =	simm.s32 @p1 $0x1;
	p0 =	seq.s32 s7, s2  }
0x1e: {  	s7 =	smul.u32 @!p0 $0xF7A, s2;
	p2 =	seq.s32 @!p0 s5, $0x0  }
0x1f: {  	s9 =	smul.u32 $0xF7A, s1;
	s8 =	simm.s32 @!p0 $0x1BF5;
	p2 =	por !p2, p0  }
0x20: {  	[sflag:s8] =	ssyncset.s32 @!p0 $0xFFFFF086;
	s6 =	sadd.s32 @!p0 s3, s7;
	s7 =	simm.s32 @!p0 $0x108  }
0x21: {  	s3 =	sadd.s32 s3, s9;
	s6 =	sadd.s32 @!p0 $0x88, s6;
	s7 =	simm.s32 @p2 $0x1082  }
0x22: {  	[simem:s7], [sflag:s8] =	dma.local @!p0 [hbm:s6], $0xF7A  }
0x23: {  	s9 =	sor.u32 $0xD0000000, s2;
	s6 =	simm.s32 $0x108;
	_ =	swait.ge @!p0 [sflag:s8], $0x0  }
0x24: {  	s3 =	sadd.s32 $0x88, s3;
	s6 =	simm.s32 @!p1 $0x1082;
	[sflag:s4] =	ssyncset.s32 $0xFFFFF086  }
0x25: {  	[simem:s6], [sflag:s4] =	dma.local [hbm:s3], $0xF7A  }
0x26: {  	[smem:$0x3F92] =	sst s1;
	(tag) =	ssettag s2;
	_ =	strace s9  }
0x27: {  	s1 =	sld [smem:$0x3FA2]  }
0x28: {  	s2 =	sld [smem:$0x3FA3]  }
0x29: {  	s4 =	sld [smem:$0x3FA5]  }
0x2a: {  	p0 =	seq.s32 s5, $0x0;
	s5 =	sld [smem:$0x3FA6]  }
0x2b: {  	s6 =	sld [smem:$0x3FA7]  }
0x2c: {  	s7 =	sld [smem:$0x3FA8]  }
0x2d: {  	s3 =	simm.s32 $0x108;
	s8 =	sld [smem:$0x3FA9]  }
0x2e: {  	s3 =	simm.s32 @!p0 $0x1082;
	s9 =	sld [smem:$0x3FAA]  }
0x2f: {  	lr =	sadd.s32 s0, s3;
	s0 =	sld [smem:$0x3FA1]  }
0x30: {  	s3 =	sld [smem:$0x3FA4]  }
0x31: {  	[smem:$0x3FAD] =	sst s10  }
0x32: {  	s10 =	sld [smem:$0x3FAB];
	_ =	sdelay $0x3  }
0x33: {  	p0 =	seq.s32 s10, $0x1;
	s10 =	sld [smem:$0x3FAD];
	_ =	sdelay $0x3  }
0x34: {  	[smem:$0x3FAD] =	sst s10  }
0x35: {  	s10 =	sld [smem:$0x3FAC];
	_ =	sdelay $0x3  }
0x36: {  	p1 =	seq.s32 s10, $0x1;
	s10 =	sld [smem:$0x3FAD];
	_ =	sdelay $0x3  }
0x37: {  	[smem:$0x3FAD] =	sst s10  }
0x38: {  	s10 =	sld [smem:$0x3FAE]  }
0x39: {  	_ = 	snop;
	(pc) =	sbr.ind lr, $3  }
0x3a: {  	_ = 	snop  }
0x3b: {  	_ = 	snop  }
0x3c: {  	p2 =	seq.s32 s10, $0x1;
	s10 =	sld [smem:$0x3FAD]  }
0x3d: {  	_ =	shalt  }
0x3e: {  	_ =	shalt  }
0x3f: {  	_ =	shalt  }
0x40: {  	_ =	shalt  }
0x41: {  	_ =	shalt  }
0x42: {  	_ =	shalt  }
0x43: {  	_ =	shalt  }
0x44: {  	_ =	shalt  }
0x45: {  	_ =	shalt  }
0x46: {  	_ =	shalt  }
0x47: {  	_ =	shalt  }
0x48: {  	_ =	shalt  }
0x49: {  	_ =	shalt  }
0x4a: {  	_ =	shalt  }
0x4b: {  	_ =	shalt  }
0x4c: {  	_ =	shalt  }
0x4d: {  	_ =	shalt  }
0x4e: {  	_ =	shalt  }
0x4f: {  	_ =	shalt  }
0x50: {  	_ =	shalt  }
0x51: {  	_ =	shalt  }
0x52: {  	_ =	shalt  }
0x53: {  	_ =	shalt  }
0x54: {  	_ =	shalt  }
0x55: {  	_ =	shalt  }
0x56: {  	_ =	shalt  }
0x57: {  	_ =	shalt  }
0x58: {  	_ =	shalt  }
0x59: {  	_ =	shalt  }
0x5a: {  	_ =	shalt  }
0x5b: {  	_ =	shalt  }
0x5c: {  	_ =	shalt  }
0x5d: {  	_ =	shalt  }
0x5e: {  	_ =	shalt  }
0x5f: {  	_ =	shalt  }
0x60: {  	_ =	shalt  }
0x61: {  	_ =	shalt  }
0x62: {  	_ =	shalt  }
0x63: {  	_ =	shalt  }
0x64: {  	_ =	shalt  }
0x65: {  	_ =	shalt  }
0x66: {  	_ =	shalt  }
0x67: {  	_ =	shalt  }
0x68: {  	_ =	shalt  }
0x69: {  	_ =	shalt  }
0x6a: {  	_ =	shalt  }
0x6b: {  	_ =	shalt  }
0x6c: {  	_ =	shalt  }
0x6d: {  	_ =	shalt  }
0x6e: {  	_ =	shalt  }
0x6f: {  	_ =	shalt  }
0x70: {  	_ =	shalt  }
0x71: {  	_ =	shalt  }
0x72: {  	_ =	shalt  }
0x73: {  	_ =	shalt  }
0x74: {  	_ =	shalt  }
0x75: {  	_ =	shalt  }
0x76: {  	_ =	shalt  }
0x77: {  	_ =	shalt  }
0x78: {  	_ =	shalt  }
0x79: {  	_ =	shalt  }
0x7a: {  	_ =	shalt  }
0x7b: {  	_ =	shalt  }
0x7c: {  	_ =	shalt  }
0x7d: {  	_ =	shalt  }
0x7e: {  	_ =	shalt  }
0x7f: {  	_ =	shalt  }
0x80: {  	_ =	shalt  }
0x81: {  	_ =	shalt  }
0x82: {  	_ =	shalt  }
0x83: {  	_ =	shalt  }
0x84: {  	_ =	shalt  }
0x85: {  	_ =	shalt  }
0x86: {  	_ =	shalt  }
0x87: {  	_ =	shalt  }
.Lfunc_end0:
.L_simem_size_0:
called_computation.1_lowered:
.L_overlay_start_0:
0x88: {  	s2 =	sld [smem:$0x3FD9]  }
0x89: {  	s3 =	sld [smem:$0x3FFE];
	_ =	sdelay $0x1  }
0x8a: {  	s1 =	srdreg.scid  }
0x8b: {  	s0 =	sand.u32 $0x1, s1  }
0x8c: {  	s16 =	sshll.u32 s0, $0xA;
	s2 =	sadd.s32 s3, s2  }
0x8d: {  	s2 =	sadd.s32 s2, s16  }
0x8e: {  	[smem:$0x3FB9] =	sst s2  }
0x8f: {  	_ = 	snop  }
0x90: {  	(tm) =	ssettm $0x1  }
0x91: {  	s17 =	sld [smem:$0x3FFB];
	_ =	sdelay $0x3  }
0x92: {  	_ =	strace s17  }
0x93: {  	s2 =	sld [smem:$0x3FFC];
	_ =	sdelay $0x3  }
0x94: {  	_ =	strace s2  }
0x95: {  	s2 =	sld [smem:$0x3FFD];
	_ =	sdelay $0x3  }
0x96: {  	_ =	strace s2  }
0x97: {  	_ =	strace $0x8FFFFFFF  }
0x98: {  	s18 =	sld [smem:$0x3FDB];
	_ =	sdelay $0x1  }
0x99: {  	s19 =	simm.s32 $_scs_section_size  }
0x9a: {  	s4 =	simm.s32 $_size__tile_overlayer_lowered;
	s5 =	simm.s32 $_tile_overlayer_lowered  }
0x9b: {  	s22 =	simm.s32 $0x1BFF;
	s21 =	sshll.u32 s5, $0x1;
	s2 =	sadd.s32 s19, s18  }
0x9c: {  	s6 =	simm.s32 $0x0;
	s20 =	sshll.u32 s4, $0x1;
	s4 =	sadd.s32 s21, s2  }
0x9d: {  	[timem:s6], [sflag:s22] =	dma.local [hbm:s4], s20  }
0x9e: {  	_ =	swait.ge [sflag:s22], s20  }
0x9f: {  	s3 =	ssub.s32 $0x0, s20;
	[sflag:s22] =	ssyncset.done $0x0  }
0xa0: {  	[sflag:s22] =	ssyncadd.s32 s3;
	_ =	sdelay $0x1  }
0xa1: {  	s23 =	simm.s32 $0x1B8B  }
0xa2: {  	_ =	swait.ge [sflag:s23], $0x1  }
0xa3: {  	[sflag:s23] =	ssyncset.done $0x0  }
0xa4: {  	s25 =	simm.s32 $0x1B8E;
	s24 =	sld [smem:$0x3FFE];
	[sflag:s23] =	ssyncadd.s32 $0xFFFFFFFF  }
0xa5: {  	s26 =	simm.s32 $execute0_lowered;
	[smem:$0x3FD2] =	sst s25  }
0xa6: {  	s4 =	sshll.u32 s26, $0x1;
	_ =	strace $0x80000049;
	[dreg:$0x1] =	wrdreg $0xFFFFFFFF  }
0xa7: {  	s28 =	simm.s32 $_size_execute0_lowered;
	s2 =	sadd.s32 s2, s4;
	[dreg:$0x0] =	wrdreg $0x0  }
0xa8: {  	s4 =	sshll.u32 s28, $0x1;
	[dreg:$0x2] =	wrdreg s2  }
0xa9: {  	[dreg:$0x3] =	wrdreg s4  }
0xaa: {  	[dreg:$0x4] =	wrdreg $0xC0  }
0xab: {  	_ =	task [dreg:s6], $0x5FFFF  }
0xac: {  	[dreg:$0x1] =	wrdreg $0xFFFFFFFF  }
0xad: {  	[dreg:$0x0] =	wrdreg $0x60  }
0xae: {  	[dreg:$0x2] =	wrdreg s24  }
0xaf: {  	[dreg:$0x3] =	wrdreg $0xB7800  }
0xb0: {  	[dreg:$0x4] =	wrdreg $0x9  }
0xb1: {  	_ =	task.clear_ibuf [dreg:s6], $0x5FFFF;
	_ =	strace $0x90000049  }
0xb2: {  	s29 =	simm.s32 $0x9;
	_ =	strace $0x8000004B  }
0xb3: {  	_ =	swait.ge [sflag:s29], $0x1  }
0xb4: {  	[sflag:s29] =	ssyncadd.s32 $0xFFFFFFFF  }
0xb5: {  	_ =	strace $0x9000004B  }
0xb6: {  	_ =	sfence  }
0xb7: {  	s30 =	sld [smem:$0x0];
	_ =	sdelay $0x2  }
0xb8: {  	s31 =	sshll.u32 s1, $0xD;
	s1 =	sshrl.u32 s1, $0x2  }
0xb9: {  	s3 =	sand.u32 $0x4000, s31;
	s1 =	sadd.s32 s1, s30  }
0xba: {  	s0 =	sor.u32 s3, s0;
	s1 =	sshll.u32 s1, $0x11  }
0xbb: {  	s0 =	sor.u32 s1, s0  }
0xbc: {  	s0 =	sadd.s32 $0x8F2B, s0  }
0xbd: {  	[sflag:s0] =	ssyncadd.remote.s32 $0x1  }
0xbe: {  	_ =	sfence.sel $0xFFFF  }
0xbf: {  	[dreg:$0x0] =	wrdreg $0xFFFFFFFF;
	(pc) =	sbr.abs _section_cstart, $3  }
0xc0: {  	[dreg:$0x1] =	wrdreg $0xFFFFFFFF  }
0xc1: {  	_ =	task.clear_ibuf [dreg:s6], $0x2FFFF;
	_ =	strace $0x9FFFFFFF  }
0xc2: {  	(tm) =	ssettm $0x7FFFFFFF  }
0xc3: {  	_ =	shalt  }
tec
execute0_lowered:
.L_overlay_start_1:
0x0: {  	(tag) =	ssettag $0x1  }
0x1: {  	s1 =	srdreg.scid;
	s8 =	rddreg [dreg:$0x0]  }
0x2: {  	s0 =	stileid.u32;
	s2 =	rddreg [dreg:$0x1];
	s3 =	simm.s32 $0x0  }
0x3: {  	s15 =	simm.s32 $0x2780;
	s19 =	simm.s32 $0x50;
	s20 =	simm.s32 $0x6780  }
0x4: {  	s21 =	simm.s32 $0x8F80;
	s22 =	simm.s32 $0x1;
	s23 =	simm.s32 $0x2  }
0x5: {  	s6 =	sand.u32 $0x1, s1;
	s24 =	sshll.u32 s0, $0x1;
	s1 =	rddreg [dreg:$0x2]  }
0x6: {  	s25 =	sshrl.u32 s0, $0x2;
	[smem:$0x7FF] =	sst s3;
	s10 =	smul.u32 $0x4E000, s0  }
0x7: {  	s11 =	sadd.s32 $0x44600, s8;
	s13 =	smul.u32 $0x13800, s0;
	s18 =	sadd.s32 $0x138000, s2  }
0x8: {  	p0 =	sne.s32 s0, $0xF;
	s16 =	sshll.u32 s0, $0x6;
	s5 =	sor.u32 s6, s24  }
0x9: {  	s4 =	smul.u32 $0x13C00, s25;
	_ =	strace $0x8000004A;
	s26 =	ssub.s32 $0x2, s6  }
0xa: {  	s14 =	smul.u32 $0x138800, s6;
	s16 =	sor.u32 $0x1C03, s16;
	s18 =	sshrl.u32 @!p0 s18, $0x3  }
0xb: {  	s24 =	simm.s32 $0x6580;
	s25 =	simm.s32 $0x0;
	s7 =	sshll.u32 s5, $0x7  }
0xc: {  	s5 =	sshll.u32 s5, $0xB;
	s12 =	sshrl.u32 s26, $0x1;
	s28 =	sshrl.u32 s10, $0x2  }
0xd: {  	s29 =	sshrl.u32 s13, $0x3;
	s7 =	sand.u32 $0x380, s7;
	s9 =	sadd.s32 s5, s8  }
0xe: {  	s12 =	ssub.s32 s26, s12;
	s17 =	sadd.s32 s28, s2;
	s30 =	sadd.s32 s13, s14  }
0xf: {  	s31 =	sshrl.u32 s14, $0x3;
	s13 =	simm.s32 $0x400;
	s14 =	simm.s32 $0x3  }
0x10: {  	s4 =	sor.u32 s4, s7;
	s6 =	sadd.s32 $0x3600, s9;
	s9 =	sshrl.u32 s30, $0x3  }
0x11: {  	s10 =	sadd.s32 s11, s31;
	s17 =	sshrl.u32 s17, $0x3;
	s7 =	sshrl.u32 s4, $0x3  }
0x12: {  	s4 =	sadd.s32 $0x1D400, s8;
	s9 =	sadd.s32 s11, s9;
	s10 =	sadd.s32 $0x27000, s10  }
0x13: {  	s11 =	smax.u32 s12, $0x1;
	s12 =	simm.s32 $0x80;
	s7 =	sadd.s32 s7, s8  }
0x14: {  	s8 =	sadd.s32 $0x44400, s8;
	s5 =	sadd.s32 $0x13600, s7;
	s7 =	sadd.s32 s4, s29  }
.LBB2_1:
0x15: {  	[tilespmem:s3], [sflag:$0x3] =	stream.strided.gather [hbm4b:s5+s12], $0x2780, s13, s12, $0x38;
	[tilespmem:$0x1F000] =	vst v63  }
0x16: {  	_ =	swait.ge [sflag:s14], $0x2780  }
0x17: {  	[sflag:s14] =	ssyncset.done $0x0  }
0x18: {  	[sflag:s14] =	ssyncadd.s32 $0xFFFFD880  }
0x19: {  	[tilespmem:s15], [sflag:$0x3] =	stream.linear.gather [hbm4b:s6+s3], $0x3E80, $0x38;
	[tilespmem:$0x1F000] =	vst v63  }
0x1a: {  	_ =	swait.ge [sflag:s14], $0x3E80  }
0x1b: {  	[sflag:s14] =	ssyncset.done $0x0  }
0x1c: {  	[sflag:s14] =	ssyncadd.s32 $0xFFFFC180  }
0x1d: {  	[spmem:s17], [sflag:s16] =	dma.local [hbm:s7], $0x2700  }
0x1e: {  	_ =	swait.ge [sflag:s14], $0x2700  }
0x1f: {  	[sflag:s14] =	ssyncset.done $0x0  }
0x20: {  	s26 =	simm.s32 @!p0 $0x3;
	[sflag:s14] =	ssyncadd.s32 $0xFFFFD900  }
0x21: {  	[spmem:s18], [sflag:s16] =	dma.local @!p0 [hbm:s8], $0x100  }
0x22: {  	_ =	swait.ge @!p0 [sflag:s26], $0x100  }
0x23: {  	[sflag:s26] =	ssyncset.done @!p0 $0x0  }
0x24: {  	[sflag:s26] =	ssyncadd.s32 @!p0 $0xFFFFFF00  }
0x25: {  	[bflag:$0x0] =	sbarrier.arrive $0xFFFF  }
0x26: {  	[tilespmem:s20], [sflag:$0x1] =	stream.indirect.gather [hbm4b:s4+s19], $0x80, s3, s19, $0xb8;
	[tilespmem:$0x1F000] =	vst v63  }
0x27: {  	s30 =	simm.s32 $0x50  }
0x28: {  	[tilespmem:s21], [sflag:$0x2] =	stream.indirect.gather [hbm4b:s4+s19], $0x80, s30, s19, $0xb8;
	[tilespmem:$0x1F000] =	vst v63  }
0x29: {  	_ =	swait.ge [sflag:s22], $0x2800  }
0x2a: {  	[sflag:s22] =	ssyncset.done $0x0  }
0x2b: {  	s31 =	simm.s32 $0x2780;
	[sflag:s22] =	ssyncadd.s32 $0xFFFFD800  }
0x2c: {  	[spmem:s2] =	stream.indirect.scatter.add.f32 [tilespmem:s20], [sflag:$0x3], $0x80, s31, s19, $0xb8;
	[tilespmem:$0x1F000] =	vst v63  }
0x2d: {  	_ =	swait.ge [sflag:s14], $0x2800  }
0x2e: {  	[sflag:s14] =	ssyncset.done $0x0  }
0x2f: {  	s30 =	simm.s32 $0xA0;
	[sflag:s14] =	ssyncadd.s32 $0xFFFFD800  }
0x30: {  	[tilespmem:s20], [sflag:$0x1] =	stream.indirect.gather [hbm4b:s4+s19], $0x80, s30, s19, $0xb8;
	[tilespmem:$0x1F000] =	vst v63  }
0x31: {  	_ =	swait.ge [sflag:s23], $0x2800  }
0x32: {  	[sflag:s23] =	ssyncset.done $0x0  }
0x33: {  	s31 =	simm.s32 $0x2800;
	[sflag:s23] =	ssyncadd.s32 $0xFFFFD800  }
0x34: {  	[spmem:s2] =	stream.indirect.scatter.add.f32 [tilespmem:s21], [sflag:$0x3], $0x80, s31, s19, $0xb8;
	[tilespmem:$0x1F000] =	vst v63  }
0x35: {  	s28 =	simm.s32 $0x400;
	_ =	swait.ge [sflag:s14], $0x2800  }
0x36: {  	s29 =	simm.s32 $0x800;
	s26 =	simm.s32 $0x140;
	[sflag:s14] =	ssyncset.done $0x0  }
.LBB2_2:
0x37: {  	p1 =	sne.s32 s29, $0xF400;
	s30 =	sadd.s32 $0xFFFFFFB0, s26;
	[sflag:s14] =	ssyncadd.s32 $0xFFFFD800  }
0x38: {  	[tilespmem:s21], [sflag:$0x2] =	stream.indirect.gather [hbm4b:s4+s19], $0x80, s30, s19, $0xb8;
	[tilespmem:$0x1F000] =	vst v63  }
0x39: {  	s30 =	smov.u32 s29;
	s29 =	sadd.s32 $0x400, s29;
	_ =	swait.ge [sflag:s22], $0x2800  }
0x3a: {  	s31 =	sshra.s32 s28, $0x2;
	s28 =	smov.u32 s30;
	[sflag:s22] =	ssyncset.done $0x0  }
0x3b: {  	s30 =	sadd.s32 $0x2780, s31;
	[sflag:s22] =	ssyncadd.s32 $0xFFFFD800  }
0x3c: {  	[spmem:s2] =	stream.indirect.scatter.add.f32 [tilespmem:s20], [sflag:$0x3], $0x80, s30, s19, $0xb8;
	[tilespmem:$0x1F000] =	vst v63  }
0x3d: {  	_ =	swait.ge [sflag:s14], $0x2800  }
0x3e: {  	[sflag:s14] =	ssyncset.done $0x0  }
0x3f: {  	[sflag:s14] =	ssyncadd.s32 $0xFFFFD800  }
0x40: {  	[tilespmem:s20], [sflag:$0x1] =	stream.indirect.gather [hbm4b:s4+s19], $0x80, s26, s19, $0xb8;
	[tilespmem:$0x1F000] =	vst v63  }
0x41: {  	_ =	swait.ge [sflag:s23], $0x2800  }
.Ltmp0:
0x42: {  	[sflag:s23] =	ssyncset.done $0x0;
	(pc) =	sbr.rel @p1 .LBB2_2-.Ltmp0, $4  }
0x43: {  	s30 =	sadd.s32 $0x2800, s31;
	[sflag:s23] =	ssyncadd.s32 $0xFFFFD800  }
0x44: {  	[spmem:s2] =	stream.indirect.scatter.add.f32 [tilespmem:s21], [sflag:$0x3], $0x80, s30, s19, $0xb8;
	[tilespmem:$0x1F000] =	vst v63  }
0x45: {  	_ =	swait.ge [sflag:s14], $0x2800  }
0x46: {  	s26 =	sadd.s32 $0xA0, s26;
	[sflag:s14] =	ssyncset.done $0x0  }
0x47: {  	s29 =	sadd.s32 $0xFFFFFFB0, s26;
	[sflag:s14] =	ssyncadd.s32 $0xFFFFD800  }
0x48: {  	[tilespmem:s21], [sflag:$0x2] =	stream.indirect.gather [hbm4b:s4+s19], $0x80, s29, s19, $0xb8;
	[tilespmem:$0x1F000] =	vst v63  }
0x49: {  	_ =	swait.ge [sflag:s22], $0x2800  }
0x4a: {  	s28 =	sshra.s32 s28, $0x2;
	[sflag:s22] =	ssyncset.done $0x0  }
0x4b: {  	s30 =	sadd.s32 $0x2780, s28;
	[sflag:s22] =	ssyncadd.s32 $0xFFFFD800  }
0x4c: {  	[spmem:s2] =	stream.indirect.scatter.add.f32 [tilespmem:s20], [sflag:$0x3], $0x80, s30, s19, $0xb8;
	[tilespmem:$0x1F000] =	vst v63  }
0x4d: {  	_ =	swait.ge [sflag:s14], $0x2800  }
0x4e: {  	[sflag:s14] =	ssyncset.done $0x0  }
0x4f: {  	[sflag:s14] =	ssyncadd.s32 $0xFFFFD800  }
0x50: {  	[tilespmem:s20], [sflag:$0x1] =	stream.indirect.gather [hbm4b:s4+s19], $0x80, s26, s19, $0xb8;
	[tilespmem:$0x1F000] =	vst v63  }
0x51: {  	_ =	swait.ge [sflag:s23], $0x2800  }
0x52: {  	[sflag:s23] =	ssyncset.done $0x0  }
0x53: {  	s31 =	sadd.s32 $0x2800, s28;
	[sflag:s23] =	ssyncadd.s32 $0xFFFFD800  }
0x54: {  	[spmem:s2] =	stream.indirect.scatter.add.f32 [tilespmem:s21], [sflag:$0x3], $0x80, s31, s19, $0xb8;
	[tilespmem:$0x1F000] =	vst v63  }
0x55: {  	_ =	swait.ge [sflag:s14], $0x2800  }
0x56: {  	[sflag:s14] =	ssyncset.done $0x0  }
0x57: {  	[sflag:s14] =	ssyncadd.s32 $0xFFFFD800  }
0x58: {  	_ =	swait.ge [sflag:s22], $0x2800  }
0x59: {  	[sflag:s22] =	ssyncset.done $0x0  }
0x5a: {  	[sflag:s22] =	ssyncadd.s32 $0xFFFFD800  }
0x5b: {  	[spmem:s2] =	stream.indirect.scatter.add.f32 [tilespmem:s20], [sflag:$0x3], $0x80, s24, s19, $0xb8;
	[tilespmem:$0x1F000] =	vst v63  }
0x5c: {  	_ =	swait.ge [sflag:s14], $0x2800  }
0x5d: {  	[sflag:s14] =	ssyncset.done $0x0  }
0x5e: {  	[sflag:s14] =	ssyncadd.s32 $0xFFFFD800  }
0x5f: {  	[bflag:$0x0] =	sbarrier.arrive $0xFFFF  }
0x60: {  	[hbm:s9], [sflag:s16] =	dma.local [spmem:s17], $0x2700  }
0x61: {  	s25 =	sadd.s32 $0x1, s25;
	_ =	swait.ge [sflag:s14], $0x2700  }
0x62: {  	p1 =	sne.s32 s25, s11;
	[sflag:s14] =	ssyncset.done $0x0  }
.Ltmp1:
0x63: {  	s26 =	simm.s32 @!p0 $0x3;
	[sflag:s14] =	ssyncadd.s32 $0xFFFFD900;
	(pc) =	sbr.rel @p1 .LBB2_1-.Ltmp1, $4  }
0x64: {  	[hbm:s10], [sflag:s16] =	dma.local @!p0 [spmem:s18], $0x100  }
0x65: {  	_ =	swait.ge @!p0 [sflag:s26], $0x100  }
0x66: {  	[sflag:s26] =	ssyncset.done @!p0 $0x0  }
0x67: {  	[sflag:s26] =	ssyncadd.s32 @!p0 $0xFFFFFF00  }
0x68: {  	_ =	sfence.sel $0x180000  }
0x69: {  	[bflag:$0x0] =	sbarrier.arrive $0xFFFF  }
0x6a: {  	p0 =	sne.s32 s0, $0x0;
	_ =	strace $0x9000004A  }
0x6b: {  	s0 =	sadd.s32 @!p0 $0x100000, s1;
	[bflag:$0x2] =	sbarrier.arrive $0xFFFF  }
0x6c: {  	[sflag:s0] =	ssyncadd.tile.s32 @!p0 $0x1;
	_ =	shalt  }
.Lfunc_end2:
_tile_overlayer_lowered:
.L_overlay_start_2:
0x6d: {  	(tag) =	ssettag $0x2  }
0x6e: {  	s0 =	rddreg [dreg:$0x0];
	s2 =	stileid.u32  }
0x6f: {  	s1 =	rddreg [dreg:$0x1];
	p0 =	sne.s32 s2, $0x0  }
0x70: {  	s3 =	rddreg [dreg:$0x2];
	[bflag:$0x3] =	sbarrier.arrive $0xFFFF;
	s2 =	simm.s32 @!p0 $0x1C03  }
0x71: {  	[timem:s3], [sflag:s2] =	dma.local @!p0 [hbm:s0], s1  }
0x72: {  	s0 =	simm.s32 @!p0 $0x3  }
0x73: {  	_ =	swait.ge @!p0 [sflag:s0], s1  }
0x74: {  	s1 =	ssub.s32 @!p0 $0x0, s1;
	[sflag:s0] =	ssyncset.done @!p0 $0x0  }
0x75: {  	[sflag:s0] =	ssyncadd.s32 @!p0 s1  }
0x76: {  	[bflag:$0x3] =	sbarrier.arrive $0xFFFF  }
0x77: {  	_ =	shalt  }

// kernel: kernel.14.cloned.1.call-start
scs
__scs_entry_jumppad:
0x0: {  	(pc) =	sbr.rel $0x88, $3  }
0x1: {  	(tag) =	ssettag $0x0;
	lr =	simm.s32 $0x1  }
0x2: {  	[smem:$0x3F92] =	sst lr;
	_ =	strace $0xD0000000  }
0x3: {  	_ = 	snop  }
0x4: {  	_ = 	snop  }
0x5: {  	_ = 	snop  }
0x6: {  	_ = 	snop  }
0x7: {  	_ = 	snop  }
__scs_overlays_trampoline_lowered:
0x8: {  	[smem:$0x3FA1] =	sst s0  }
0x9: {  	[smem:$0x3FA2] =	sst s1  }
0xa: {  	[smem:$0x3FA3] =	sst s2  }
0xb: {  	[smem:$0x3FA4] =	sst s3  }
0xc: {  	[smem:$0x3FA5] =	sst s4  }
0xd: {  	[smem:$0x3FA6] =	sst s5  }
0xe: {  	[smem:$0x3FA7] =	sst s6  }
0xf: {  	[smem:$0x3FA8] =	sst s7  }
0x10: {  	[smem:$0x3FA9] =	sst s8  }
0x11: {  	[smem:$0x3FAA] =	sst s9;
	s0 =	simm.s32 @!p0 $0x0  }
0x12: {  	s1 =	sld [smem:$0x3F90];
	s0 =	simm.s32 @p0 $0x1  }
0x13: {  	[smem:$0x3FAB] =	sst s0;
	s0 =	simm.s32 @!p1 $0x0  }
0x14: {  	s2 =	sld [smem:$0x3F8F];
	s0 =	simm.s32 @p1 $0x1  }
0x15: {  	[smem:$0x3FAC] =	sst s0;
	s0 =	simm.s32 @!p2 $0x0  }
0x16: {  	s3 =	sld [smem:$0x3FDB];
	s0 =	simm.s32 @p2 $0x1  }
0x17: {  	s4 =	simm.s32 $0x1BF5;
	[smem:$0x3FAE] =	sst s0  }
0x18: {  	s0 =	sld [smem:$0x3F91];
	_ =	swait.ge [sflag:s4], $0x0  }
0x19: {  	s7 =	sld [smem:$0x3F92]  }
0x1a: {  	s8 =	sadd.s32 $0xFFFFE003, lr  }
0x1b: {  	s9 =	sadd.s32 $0xFFFFFEF7, lr;
	s5 =	simm.s32 $0xFFFFFFFF;
	p2 =	slt.u32 s8, $0xFFFFF086  }
0x1c: {  	p1 =	slt.u32 s9, $0xF7A;
	s5 =	simm.s32 @!p2 $0x0  }
0x1d: {  	s5 =	simm.s32 @p1 $0x1;
	p0 =	seq.s32 s7, s2  }
0x1e: {  	s7 =	smul.u32 @!p0 $0xF7A, s2;
	p2 =	seq.s32 @!p0 s5, $0x0  }
0x1f: {  	s9 =	smul.u32 $0xF7A, s1;
	s8 =	simm.s32 @!p0 $0x1BF5;
	p2 =	por !p2, p0  }
0x20: {  	[sflag:s8] =	ssyncset.s32 @!p0 $0xFFFFF086;
	s6 =	sadd.s32 @!p0 s3, s7;
	s7 =	simm.s32 @!p0 $0x108  }
0x21: {  	s3 =	sadd.s32 s3, s9;
	s6 =	sadd.s32 @!p0 $0x88, s6;
	s7 =	simm.s32 @p2 $0x1082  }
0x22: {  	[simem:s7], [sflag:s8] =	dma.local @!p0 [hbm:s6], $0xF7A  }
0x23: {  	s9 =	sor.u32 $0xD0000000, s2;
	s6 =	simm.s32 $0x108;
	_ =	swait.ge @!p0 [sflag:s8], $0x0  }
0x24: {  	s3 =	sadd.s32 $0x88, s3;
	s6 =	simm.s32 @!p1 $0x1082;
	[sflag:s4] =	ssyncset.s32 $0xFFFFF086  }
0x25: {  	[simem:s6], [sflag:s4] =	dma.local [hbm:s3], $0xF7A  }
0x26: {  	[smem:$0x3F92] =	sst s1;
	(tag) =	ssettag s2;
	_ =	strace s9  }
0x27: {  	s1 =	sld [smem:$0x3FA2]  }
0x28: {  	s2 =	sld [smem:$0x3FA3]  }
0x29: {  	s4 =	sld [smem:$0x3FA5]  }
0x2a: {  	p0 =	seq.s32 s5, $0x0;
	s5 =	sld [smem:$0x3FA6]  }
0x2b: {  	s6 =	sld [smem:$0x3FA7]  }
0x2c: {  	s7 =	sld [smem:$0x3FA8]  }
0x2d: {  	s3 =	simm.s32 $0x108;
	s8 =	sld [smem:$0x3FA9]  }
0x2e: {  	s3 =	simm.s32 @!p0 $0x1082;
	s9 =	sld [smem:$0x3FAA]  }
0x2f: {  	lr =	sadd.s32 s0, s3;
	s0 =	sld [smem:$0x3FA1]  }
0x30: {  	s3 =	sld [smem:$0x3FA4]  }
0x31: {  	[smem:$0x3FAD] =	sst s10  }
0x32: {  	s10 =	sld [smem:$0x3FAB];
	_ =	sdelay $0x3  }
0x33: {  	p0 =	seq.s32 s10, $0x1;
	s10 =	sld [smem:$0x3FAD];
	_ =	sdelay $0x3  }
0x34: {  	[smem:$0x3FAD] =	sst s10  }
0x35: {  	s10 =	sld [smem:$0x3FAC];
	_ =	sdelay $0x3  }
0x36: {  	p1 =	seq.s32 s10, $0x1;
	s10 =	sld [smem:$0x3FAD];
	_ =	sdelay $0x3  }
0x37: {  	[smem:$0x3FAD] =	sst s10  }
0x38: {  	s10 =	sld [smem:$0x3FAE]  }
0x39: {  	_ = 	snop;
	(pc) =	sbr.ind lr, $3  }
0x3a: {  	_ = 	snop  }
0x3b: {  	_ = 	snop  }
0x3c: {  	p2 =	seq.s32 s10, $0x1;
	s10 =	sld [smem:$0x3FAD]  }
0x3d: {  	_ =	shalt  }
0x3e: {  	_ =	shalt  }
0x3f: {  	_ =	shalt  }
0x40: {  	_ =	shalt  }
0x41: {  	_ =	shalt  }
0x42: {  	_ =	shalt  }
0x43: {  	_ =	shalt  }
0x44: {  	_ =	shalt  }
0x45: {  	_ =	shalt  }
0x46: {  	_ =	shalt  }
0x47: {  	_ =	shalt  }
0x48: {  	_ =	shalt  }
0x49: {  	_ =	shalt  }
0x4a: {  	_ =	shalt  }
0x4b: {  	_ =	shalt  }
0x4c: {  	_ =	shalt  }
0x4d: {  	_ =	shalt  }
0x4e: {  	_ =	shalt  }
0x4f: {  	_ =	shalt  }
0x50: {  	_ =	shalt  }
0x51: {  	_ =	shalt  }
0x52: {  	_ =	shalt  }
0x53: {  	_ =	shalt  }
0x54: {  	_ =	shalt  }
0x55: {  	_ =	shalt  }
0x56: {  	_ =	shalt  }
0x57: {  	_ =	shalt  }
0x58: {  	_ =	shalt  }
0x59: {  	_ =	shalt  }
0x5a: {  	_ =	shalt  }
0x5b: {  	_ =	shalt  }
0x5c: {  	_ =	shalt  }
0x5d: {  	_ =	shalt  }
0x5e: {  	_ =	shalt  }
0x5f: {  	_ =	shalt  }
0x60: {  	_ =	shalt  }
0x61: {  	_ =	shalt  }
0x62: {  	_ =	shalt  }
0x63: {  	_ =	shalt  }
0x64: {  	_ =	shalt  }
0x65: {  	_ =	shalt  }
0x66: {  	_ =	shalt  }
0x67: {  	_ =	shalt  }
0x68: {  	_ =	shalt  }
0x69: {  	_ =	shalt  }
0x6a: {  	_ =	shalt  }
0x6b: {  	_ =	shalt  }
0x6c: {  	_ =	shalt  }
0x6d: {  	_ =	shalt  }
0x6e: {  	_ =	shalt  }
0x6f: {  	_ =	shalt  }
0x70: {  	_ =	shalt  }
0x71: {  	_ =	shalt  }
0x72: {  	_ =	shalt  }
0x73: {  	_ =	shalt  }
0x74: {  	_ =	shalt  }
0x75: {  	_ =	shalt  }
0x76: {  	_ =	shalt  }
0x77: {  	_ =	shalt  }
0x78: {  	_ =	shalt  }
0x79: {  	_ =	shalt  }
0x7a: {  	_ =	shalt  }
0x7b: {  	_ =	shalt  }
0x7c: {  	_ =	shalt  }
0x7d: {  	_ =	shalt  }
0x7e: {  	_ =	shalt  }
0x7f: {  	_ =	shalt  }
0x80: {  	_ =	shalt  }
0x81: {  	_ =	shalt  }
0x82: {  	_ =	shalt  }
0x83: {  	_ =	shalt  }
0x84: {  	_ =	shalt  }
0x85: {  	_ =	shalt  }
0x86: {  	_ =	shalt  }
0x87: {  	_ =	shalt  }
.Lfunc_end0:
.L_simem_size_0:
called_computation.2_lowered:
.L_overlay_start_0:
0x88: {  	s2 =	sld [smem:$0x3FD9]  }
0x89: {  	s3 =	sld [smem:$0x3FFE];
	_ =	sdelay $0x1  }
0x8a: {  	s1 =	srdreg.scid  }
0x8b: {  	s0 =	sand.u32 $0x1, s1  }
0x8c: {  	s16 =	sshll.u32 s0, $0xA;
	s2 =	sadd.s32 s3, s2  }
0x8d: {  	s2 =	sadd.s32 s2, s16  }
0x8e: {  	[smem:$0x3FB9] =	sst s2  }
0x8f: {  	_ = 	snop  }
0x90: {  	(tm) =	ssettm $0x1  }
0x91: {  	s17 =	sld [smem:$0x3FFB];
	_ =	sdelay $0x3  }
0x92: {  	_ =	strace s17  }
0x93: {  	s2 =	sld [smem:$0x3FFC];
	_ =	sdelay $0x3  }
0x94: {  	_ =	strace s2  }
0x95: {  	s2 =	sld [smem:$0x3FFD];
	_ =	sdelay $0x3  }
0x96: {  	_ =	strace s2  }
0x97: {  	_ =	strace $0x8FFFFFFF  }
0x98: {  	s18 =	sld [smem:$0x3FDB];
	_ =	sdelay $0x1  }
0x99: {  	s19 =	simm.s32 $_scs_section_size  }
0x9a: {  	s4 =	simm.s32 $_size__tile_overlayer_lowered;
	s5 =	simm.s32 $_tile_overlayer_lowered  }
0x9b: {  	s22 =	simm.s32 $0x1BFF;
	s21 =	sshll.u32 s5, $0x1;
	s2 =	sadd.s32 s19, s18  }
0x9c: {  	s6 =	simm.s32 $0x0;
	s20 =	sshll.u32 s4, $0x1;
	s4 =	sadd.s32 s21, s2  }
0x9d: {  	[timem:s6], [sflag:s22] =	dma.local [hbm:s4], s20  }
0x9e: {  	_ =	swait.ge [sflag:s22], s20  }
0x9f: {  	s3 =	ssub.s32 $0x0, s20;
	[sflag:s22] =	ssyncset.done $0x0  }
0xa0: {  	[sflag:s22] =	ssyncadd.s32 s3;
	_ =	sdelay $0x1  }
0xa1: {  	s23 =	simm.s32 $0x1B8B  }
0xa2: {  	_ =	swait.ge [sflag:s23], $0x1  }
0xa3: {  	[sflag:s23] =	ssyncset.done $0x0  }
0xa4: {  	s25 =	simm.s32 $0x1B8E;
	s24 =	sld [smem:$0x3FFE];
	[sflag:s23] =	ssyncadd.s32 $0xFFFFFFFF  }
0xa5: {  	s26 =	simm.s32 $execute0_lowered;
	[smem:$0x3FD2] =	sst s25  }
0xa6: {  	s4 =	sshll.u32 s26, $0x1;
	_ =	strace $0x8000004C;
	[dreg:$0x1] =	wrdreg $0xFFFFFFFF  }
0xa7: {  	s28 =	simm.s32 $_size_execute0_lowered;
	s2 =	sadd.s32 s2, s4;
	[dreg:$0x0] =	wrdreg $0x0  }
0xa8: {  	s4 =	sshll.u32 s28, $0x1;
	[dreg:$0x2] =	wrdreg s2  }
0xa9: {  	[dreg:$0x3] =	wrdreg s4  }
0xaa: {  	[dreg:$0x4] =	wrdreg $0xC0  }
0xab: {  	_ =	task [dreg:s6], $0x5FFFF  }
0xac: {  	[dreg:$0x1] =	wrdreg $0xFFFFFFFF  }
0xad: {  	[dreg:$0x0] =	wrdreg $0x60  }
0xae: {  	[dreg:$0x2] =	wrdreg s24  }
0xaf: {  	[dreg:$0x3] =	wrdreg $0xB7800  }
0xb0: {  	[dreg:$0x4] =	wrdreg $0x9  }
0xb1: {  	_ =	task.clear_ibuf [dreg:s6], $0x5FFFF;
	_ =	strace $0x9000004C  }
0xb2: {  	s29 =	simm.s32 $0x9;
	_ =	strace $0x8000004E  }
0xb3: {  	_ =	swait.ge [sflag:s29], $0x1  }
0xb4: {  	[sflag:s29] =	ssyncadd.s32 $0xFFFFFFFF  }
0xb5: {  	_ =	strace $0x9000004E  }
0xb6: {  	_ =	sfence  }
0xb7: {  	s30 =	sld [smem:$0x0];
	_ =	sdelay $0x2  }
0xb8: {  	s31 =	sshll.u32 s1, $0xD;
	s1 =	sshrl.u32 s1, $0x2  }
0xb9: {  	s3 =	sand.u32 $0x4000, s31;
	s1 =	sadd.s32 s1, s30  }
0xba: {  	s0 =	sor.u32 s3, s0;
	s1 =	sshll.u32 s1, $0x11  }
0xbb: {  	s0 =	sor.u32 s1, s0  }
0xbc: {  	s0 =	sadd.s32 $0x8F2B, s0  }
0xbd: {  	[sflag:s0] =	ssyncadd.remote.s32 $0x1  }
0xbe: {  	_ =	sfence.sel $0xFFFF  }
0xbf: {  	[dreg:$0x0] =	wrdreg $0xFFFFFFFF;
	(pc) =	sbr.abs _section_cstart, $3  }
0xc0: {  	[dreg:$0x1] =	wrdreg $0xFFFFFFFF  }
0xc1: {  	_ =	task.clear_ibuf [dreg:s6], $0x2FFFF;
	_ =	strace $0x9FFFFFFF  }
0xc2: {  	(tm) =	ssettm $0x7FFFFFFF  }
0xc3: {  	_ =	shalt  }
tec
execute0_lowered:
.L_overlay_start_1:
0x0: {  	(tag) =	ssettag $0x1  }
0x1: {  	s1 =	srdreg.scid;
	s8 =	rddreg [dreg:$0x0]  }
0x2: {  	s0 =	stileid.u32;
	s2 =	rddreg [dreg:$0x1];
	s3 =	simm.s32 $0x0  }
0x3: {  	s15 =	simm.s32 $0x2780;
	s19 =	simm.s32 $0x50;
	s20 =	simm.s32 $0x6780  }
0x4: {  	s21 =	simm.s32 $0x8F80;
	s22 =	simm.s32 $0x1;
	s23 =	simm.s32 $0x2  }
0x5: {  	s6 =	sand.u32 $0x1, s1;
	s24 =	sshll.u32 s0, $0x1;
	s1 =	rddreg [dreg:$0x2]  }
0x6: {  	s25 =	sshrl.u32 s0, $0x2;
	[smem:$0x7FF] =	sst s3;
	s10 =	smul.u32 $0x4E000, s0  }
0x7: {  	s11 =	sadd.s32 $0x44600, s8;
	s13 =	smul.u32 $0x13800, s0;
	s18 =	sadd.s32 $0x138000, s2  }
0x8: {  	p0 =	sne.s32 s0, $0xF;
	s16 =	sshll.u32 s0, $0x6;
	s5 =	sor.u32 s6, s24  }
0x9: {  	s4 =	smul.u32 $0x13C00, s25;
	_ =	strace $0x8000004D;
	s26 =	ssub.s32 $0x2, s6  }
0xa: {  	s14 =	smul.u32 $0x138800, s6;
	s16 =	sor.u32 $0x1C03, s16;
	s18 =	sshrl.u32 @!p0 s18, $0x3  }
0xb: {  	s24 =	simm.s32 $0x6580;
	s25 =	simm.s32 $0x0;
	s7 =	sshll.u32 s5, $0x7  }
0xc: {  	s5 =	sshll.u32 s5, $0xB;
	s12 =	sshrl.u32 s26, $0x1;
	s28 =	sshrl.u32 s10, $0x2  }
0xd: {  	s29 =	sshrl.u32 s13, $0x3;
	s7 =	sand.u32 $0x380, s7;
	s9 =	sadd.s32 s5, s8  }
0xe: {  	s12 =	ssub.s32 s26, s12;
	s17 =	sadd.s32 s28, s2;
	s30 =	sadd.s32 s13, s14  }
0xf: {  	s31 =	sshrl.u32 s14, $0x3;
	s13 =	simm.s32 $0x400;
	s14 =	simm.s32 $0x3  }
0x10: {  	s4 =	sor.u32 s4, s7;
	s6 =	sadd.s32 $0x3600, s9;
	s9 =	sshrl.u32 s30, $0x3  }
0x11: {  	s10 =	sadd.s32 s11, s31;
	s17 =	sshrl.u32 s17, $0x3;
	s7 =	sshrl.u32 s4, $0x3  }
0x12: {  	s4 =	sadd.s32 $0x1D400, s8;
	s9 =	sadd.s32 s11, s9;
	s10 =	sadd.s32 $0x27000, s10  }
0x13: {  	s11 =	smax.u32 s12, $0x1;
	s12 =	simm.s32 $0x80;
	s7 =	sadd.s32 s7, s8  }
0x14: {  	s8 =	sadd.s32 $0x44400, s8;
	s5 =	sadd.s32 $0x13600, s7;
	s7 =	sadd.s32 s4, s29  }
.LBB2_1:
0x15: {  	[tilespmem:s3], [sflag:$0x3] =	stream.strided.gather [hbm4b:s5+s12], $0x2780, s13, s12, $0x38;
	[tilespmem:$0x1F000] =	vst v63  }
0x16: {  	_ =	swait.ge [sflag:s14], $0x2780  }
0x17: {  	[sflag:s14] =	ssyncset.done $0x0  }
0x18: {  	[sflag:s14] =	ssyncadd.s32 $0xFFFFD880  }
0x19: {  	[tilespmem:s15], [sflag:$0x3] =	stream.linear.gather [hbm4b:s6+s3], $0x3E80, $0x38;
	[tilespmem:$0x1F000] =	vst v63  }
0x1a: {  	_ =	swait.ge [sflag:s14], $0x3E80  }
0x1b: {  	[sflag:s14] =	ssyncset.done $0x0  }
0x1c: {  	[sflag:s14] =	ssyncadd.s32 $0xFFFFC180  }
0x1d: {  	[spmem:s17], [sflag:s16] =	dma.local [hbm:s7], $0x2700  }
0x1e: {  	_ =	swait.ge [sflag:s14], $0x2700  }
0x1f: {  	[sflag:s14] =	ssyncset.done $0x0  }
0x20: {  	s26 =	simm.s32 @!p0 $0x3;
	[sflag:s14] =	ssyncadd.s32 $0xFFFFD900  }
0x21: {  	[spmem:s18], [sflag:s16] =	dma.local @!p0 [hbm:s8], $0x100  }
0x22: {  	_ =	swait.ge @!p0 [sflag:s26], $0x100  }
0x23: {  	[sflag:s26] =	ssyncset.done @!p0 $0x0  }
0x24: {  	[sflag:s26] =	ssyncadd.s32 @!p0 $0xFFFFFF00  }
0x25: {  	[bflag:$0x0] =	sbarrier.arrive $0xFFFF  }
0x26: {  	[tilespmem:s20], [sflag:$0x1] =	stream.indirect.gather [hbm4b:s4+s19], $0x80, s3, s19, $0xb8;
	[tilespmem:$0x1F000] =	vst v63  }
0x27: {  	s30 =	simm.s32 $0x50  }
0x28: {  	[tilespmem:s21], [sflag:$0x2] =	stream.indirect.gather [hbm4b:s4+s19], $0x80, s30, s19, $0xb8;
	[tilespmem:$0x1F000] =	vst v63  }
0x29: {  	_ =	swait.ge [sflag:s22], $0x2800  }
0x2a: {  	[sflag:s22] =	ssyncset.done $0x0  }
0x2b: {  	s31 =	simm.s32 $0x2780;
	[sflag:s22] =	ssyncadd.s32 $0xFFFFD800  }
0x2c: {  	[spmem:s2] =	stream.indirect.scatter.add.f32 [tilespmem:s20], [sflag:$0x3], $0x80, s31, s19, $0xb8;
	[tilespmem:$0x1F000] =	vst v63  }
0x2d: {  	_ =	swait.ge [sflag:s14], $0x2800  }
0x2e: {  	[sflag:s14] =	ssyncset.done $0x0  }
0x2f: {  	s30 =	simm.s32 $0xA0;
	[sflag:s14] =	ssyncadd.s32 $0xFFFFD800  }
0x30: {  	[tilespmem:s20], [sflag:$0x1] =	stream.indirect.gather [hbm4b:s4+s19], $0x80, s30, s19, $0xb8;
	[tilespmem:$0x1F000] =	vst v63  }
0x31: {  	_ =	swait.ge [sflag:s23], $0x2800  }
0x32: {  	[sflag:s23] =	ssyncset.done $0x0  }
0x33: {  	s31 =	simm.s32 $0x2800;
	[sflag:s23] =	ssyncadd.s32 $0xFFFFD800  }
0x34: {  	[spmem:s2] =	stream.indirect.scatter.add.f32 [tilespmem:s21], [sflag:$0x3], $0x80, s31, s19, $0xb8;
	[tilespmem:$0x1F000] =	vst v63  }
0x35: {  	s28 =	simm.s32 $0x400;
	_ =	swait.ge [sflag:s14], $0x2800  }
0x36: {  	s29 =	simm.s32 $0x800;
	s26 =	simm.s32 $0x140;
	[sflag:s14] =	ssyncset.done $0x0  }
.LBB2_2:
0x37: {  	p1 =	sne.s32 s29, $0xF400;
	s30 =	sadd.s32 $0xFFFFFFB0, s26;
	[sflag:s14] =	ssyncadd.s32 $0xFFFFD800  }
0x38: {  	[tilespmem:s21], [sflag:$0x2] =	stream.indirect.gather [hbm4b:s4+s19], $0x80, s30, s19, $0xb8;
	[tilespmem:$0x1F000] =	vst v63  }
0x39: {  	s30 =	smov.u32 s29;
	s29 =	sadd.s32 $0x400, s29;
	_ =	swait.ge [sflag:s22], $0x2800  }
0x3a: {  	s31 =	sshra.s32 s28, $0x2;
	s28 =	smov.u32 s30;
	[sflag:s22] =	ssyncset.done $0x0  }
0x3b: {  	s30 =	sadd.s32 $0x2780, s31;
	[sflag:s22] =	ssyncadd.s32 $0xFFFFD800  }
0x3c: {  	[spmem:s2] =	stream.indirect.scatter.add.f32 [tilespmem:s20], [sflag:$0x3], $0x80, s30, s19, $0xb8;
	[tilespmem:$0x1F000] =	vst v63  }
0x3d: {  	_ =	swait.ge [sflag:s14], $0x2800  }
0x3e: {  	[sflag:s14] =	ssyncset.done $0x0  }
0x3f: {  	[sflag:s14] =	ssyncadd.s32 $0xFFFFD800  }
0x40: {  	[tilespmem:s20], [sflag:$0x1] =	stream.indirect.gather [hbm4b:s4+s19], $0x80, s26, s19, $0xb8;
	[tilespmem:$0x1F000] =	vst v63  }
0x41: {  	_ =	swait.ge [sflag:s23], $0x2800  }
.Ltmp0:
0x42: {  	[sflag:s23] =	ssyncset.done $0x0;
	(pc) =	sbr.rel @p1 .LBB2_2-.Ltmp0, $4  }
0x43: {  	s30 =	sadd.s32 $0x2800, s31;
	[sflag:s23] =	ssyncadd.s32 $0xFFFFD800  }
0x44: {  	[spmem:s2] =	stream.indirect.scatter.add.f32 [tilespmem:s21], [sflag:$0x3], $0x80, s30, s19, $0xb8;
	[tilespmem:$0x1F000] =	vst v63  }
0x45: {  	_ =	swait.ge [sflag:s14], $0x2800  }
0x46: {  	s26 =	sadd.s32 $0xA0, s26;
	[sflag:s14] =	ssyncset.done $0x0  }
0x47: {  	s29 =	sadd.s32 $0xFFFFFFB0, s26;
	[sflag:s14] =	ssyncadd.s32 $0xFFFFD800  }
0x48: {  	[tilespmem:s21], [sflag:$0x2] =	stream.indirect.gather [hbm4b:s4+s19], $0x80, s29, s19, $0xb8;
	[tilespmem:$0x1F000] =	vst v63  }
0x49: {  	_ =	swait.ge [sflag:s22], $0x2800  }
0x4a: {  	s28 =	sshra.s32 s28, $0x2;
	[sflag:s22] =	ssyncset.done $0x0  }
0x4b: {  	s30 =	sadd.s32 $0x2780, s28;
	[sflag:s22] =	ssyncadd.s32 $0xFFFFD800  }
0x4c: {  	[spmem:s2] =	stream.indirect.scatter.add.f32 [tilespmem:s20], [sflag:$0x3], $0x80, s30, s19, $0xb8;
	[tilespmem:$0x1F000] =	vst v63  }
0x4d: {  	_ =	swait.ge [sflag:s14], $0x2800  }
0x4e: {  	[sflag:s14] =	ssyncset.done $0x0  }
0x4f: {  	[sflag:s14] =	ssyncadd.s32 $0xFFFFD800  }
0x50: {  	[tilespmem:s20], [sflag:$0x1] =	stream.indirect.gather [hbm4b:s4+s19], $0x80, s26, s19, $0xb8;
	[tilespmem:$0x1F000] =	vst v63  }
0x51: {  	_ =	swait.ge [sflag:s23], $0x2800  }
0x52: {  	[sflag:s23] =	ssyncset.done $0x0  }
0x53: {  	s31 =	sadd.s32 $0x2800, s28;
	[sflag:s23] =	ssyncadd.s32 $0xFFFFD800  }
0x54: {  	[spmem:s2] =	stream.indirect.scatter.add.f32 [tilespmem:s21], [sflag:$0x3], $0x80, s31, s19, $0xb8;
	[tilespmem:$0x1F000] =	vst v63  }
0x55: {  	_ =	swait.ge [sflag:s14], $0x2800  }
0x56: {  	[sflag:s14] =	ssyncset.done $0x0  }
0x57: {  	[sflag:s14] =	ssyncadd.s32 $0xFFFFD800  }
0x58: {  	_ =	swait.ge [sflag:s22], $0x2800  }
0x59: {  	[sflag:s22] =	ssyncset.done $0x0  }
0x5a: {  	[sflag:s22] =	ssyncadd.s32 $0xFFFFD800  }
0x5b: {  	[spmem:s2] =	stream.indirect.scatter.add.f32 [tilespmem:s20], [sflag:$0x3], $0x80, s24, s19, $0xb8;
	[tilespmem:$0x1F000] =	vst v63  }
0x5c: {  	_ =	swait.ge [sflag:s14], $0x2800  }
0x5d: {  	[sflag:s14] =	ssyncset.done $0x0  }
0x5e: {  	[sflag:s14] =	ssyncadd.s32 $0xFFFFD800  }
0x5f: {  	[bflag:$0x0] =	sbarrier.arrive $0xFFFF  }
0x60: {  	[hbm:s9], [sflag:s16] =	dma.local [spmem:s17], $0x2700  }
0x61: {  	s25 =	sadd.s32 $0x1, s25;
	_ =	swait.ge [sflag:s14], $0x2700  }
0x62: {  	p1 =	sne.s32 s25, s11;
	[sflag:s14] =	ssyncset.done $0x0  }
.Ltmp1:
0x63: {  	s26 =	simm.s32 @!p0 $0x3;
	[sflag:s14] =	ssyncadd.s32 $0xFFFFD900;
	(pc) =	sbr.rel @p1 .LBB2_1-.Ltmp1, $4  }
0x64: {  	[hbm:s10], [sflag:s16] =	dma.local @!p0 [spmem:s18], $0x100  }
0x65: {  	_ =	swait.ge @!p0 [sflag:s26], $0x100  }
0x66: {  	[sflag:s26] =	ssyncset.done @!p0 $0x0  }
0x67: {  	[sflag:s26] =	ssyncadd.s32 @!p0 $0xFFFFFF00  }
0x68: {  	_ =	sfence.sel $0x180000  }
0x69: {  	[bflag:$0x0] =	sbarrier.arrive $0xFFFF  }
0x6a: {  	p0 =	sne.s32 s0, $0x0;
	_ =	strace $0x9000004D  }
0x6b: {  	s0 =	sadd.s32 @!p0 $0x100000, s1;
	[bflag:$0x2] =	sbarrier.arrive $0xFFFF  }
0x6c: {  	[sflag:s0] =	ssyncadd.tile.s32 @!p0 $0x1;
	_ =	shalt  }
.Lfunc_end2:
_tile_overlayer_lowered:
.L_overlay_start_2:
0x6d: {  	(tag) =	ssettag $0x2  }
0x6e: {  	s0 =	rddreg [dreg:$0x0];
	s2 =	stileid.u32  }
0x6f: {  	s1 =	rddreg [dreg:$0x1];
	p0 =	sne.s32 s2, $0x0  }
0x70: {  	s3 =	rddreg [dreg:$0x2];
	[bflag:$0x3] =	sbarrier.arrive $0xFFFF;
	s2 =	simm.s32 @!p0 $0x1C03  }
0x71: {  	[timem:s3], [sflag:s2] =	dma.local @!p0 [hbm:s0], s1  }
0x72: {  	s0 =	simm.s32 @!p0 $0x3  }
0x73: {  	_ =	swait.ge @!p0 [sflag:s0], s1  }
0x74: {  	s1 =	ssub.s32 @!p0 $0x0, s1;
	[sflag:s0] =	ssyncset.done @!p0 $0x0  }
0x75: {  	[sflag:s0] =	ssyncadd.s32 @!p0 s1  }
0x76: {  	[bflag:$0x3] =	sbarrier.arrive $0xFFFF  }
0x77: {  	_ =	shalt  }

// kernel: kernel.8.cloned.1.call-start
scs
__scs_entry_jumppad:
0x0: {  	(pc) =	sbr.rel $0x88, $3  }
0x1: {  	(tag) =	ssettag $0x0;
	lr =	simm.s32 $0x1  }
0x2: {  	[smem:$0x3F92] =	sst lr;
	_ =	strace $0xD0000000  }
0x3: {  	_ = 	snop  }
0x4: {  	_ = 	snop  }
0x5: {  	_ = 	snop  }
0x6: {  	_ = 	snop  }
0x7: {  	_ = 	snop  }
__scs_overlays_trampoline_lowered:
0x8: {  	[smem:$0x3FA1] =	sst s0  }
0x9: {  	[smem:$0x3FA2] =	sst s1  }
0xa: {  	[smem:$0x3FA3] =	sst s2  }
0xb: {  	[smem:$0x3FA4] =	sst s3  }
0xc: {  	[smem:$0x3FA5] =	sst s4  }
0xd: {  	[smem:$0x3FA6] =	sst s5  }
0xe: {  	[smem:$0x3FA7] =	sst s6  }
0xf: {  	[smem:$0x3FA8] =	sst s7  }
0x10: {  	[smem:$0x3FA9] =	sst s8  }
0x11: {  	[smem:$0x3FAA] =	sst s9;
	s0 =	simm.s32 @!p0 $0x0  }
0x12: {  	s1 =	sld [smem:$0x3F90];
	s0 =	simm.s32 @p0 $0x1  }
0x13: {  	[smem:$0x3FAB] =	sst s0;
	s0 =	simm.s32 @!p1 $0x0  }
0x14: {  	s2 =	sld [smem:$0x3F8F];
	s0 =	simm.s32 @p1 $0x1  }
0x15: {  	[smem:$0x3FAC] =	sst s0;
	s0 =	simm.s32 @!p2 $0x0  }
0x16: {  	s3 =	sld [smem:$0x3FDB];
	s0 =	simm.s32 @p2 $0x1  }
0x17: {  	s4 =	simm.s32 $0x1BF5;
	[smem:$0x3FAE] =	sst s0  }
0x18: {  	s0 =	sld [smem:$0x3F91];
	_ =	swait.ge [sflag:s4], $0x0  }
0x19: {  	s7 =	sld [smem:$0x3F92]  }
0x1a: {  	s8 =	sadd.s32 $0xFFFFE003, lr  }
0x1b: {  	s9 =	sadd.s32 $0xFFFFFEF7, lr;
	s5 =	simm.s32 $0xFFFFFFFF;
	p2 =	slt.u32 s8, $0xFFFFF086  }
0x1c: {  	p1 =	slt.u32 s9, $0xF7A;
	s5 =	simm.s32 @!p2 $0x0  }
0x1d: {  	s5 =	simm.s32 @p1 $0x1;
	p0 =	seq.s32 s7, s2  }
0x1e: {  	s7 =	smul.u32 @!p0 $0xF7A, s2;
	p2 =	seq.s32 @!p0 s5, $0x0  }
0x1f: {  	s9 =	smul.u32 $0xF7A, s1;
	s8 =	simm.s32 @!p0 $0x1BF5;
	p2 =	por !p2, p0  }
0x20: {  	[sflag:s8] =	ssyncset.s32 @!p0 $0xFFFFF086;
	s6 =	sadd.s32 @!p0 s3, s7;
	s7 =	simm.s32 @!p0 $0x108  }
0x21: {  	s3 =	sadd.s32 s3, s9;
	s6 =	sadd.s32 @!p0 $0x88, s6;
	s7 =	simm.s32 @p2 $0x1082  }
0x22: {  	[simem:s7], [sflag:s8] =	dma.local @!p0 [hbm:s6], $0xF7A  }
0x23: {  	s9 =	sor.u32 $0xD0000000, s2;
	s6 =	simm.s32 $0x108;
	_ =	swait.ge @!p0 [sflag:s8], $0x0  }
0x24: {  	s3 =	sadd.s32 $0x88, s3;
	s6 =	simm.s32 @!p1 $0x1082;
	[sflag:s4] =	ssyncset.s32 $0xFFFFF086  }
0x25: {  	[simem:s6], [sflag:s4] =	dma.local [hbm:s3], $0xF7A  }
0x26: {  	[smem:$0x3F92] =	sst s1;
	(tag) =	ssettag s2;
	_ =	strace s9  }
0x27: {  	s1 =	sld [smem:$0x3FA2]  }
0x28: {  	s2 =	sld [smem:$0x3FA3]  }
0x29: {  	s4 =	sld [smem:$0x3FA5]  }
0x2a: {  	p0 =	seq.s32 s5, $0x0;
	s5 =	sld [smem:$0x3FA6]  }
0x2b: {  	s6 =	sld [smem:$0x3FA7]  }
0x2c: {  	s7 =	sld [smem:$0x3FA8]  }
0x2d: {  	s3 =	simm.s32 $0x108;
	s8 =	sld [smem:$0x3FA9]  }
0x2e: {  	s3 =	simm.s32 @!p0 $0x1082;
	s9 =	sld [smem:$0x3FAA]  }
0x2f: {  	lr =	sadd.s32 s0, s3;
	s0 =	sld [smem:$0x3FA1]  }
0x30: {  	s3 =	sld [smem:$0x3FA4]  }
0x31: {  	[smem:$0x3FAD] =	sst s10  }
0x32: {  	s10 =	sld [smem:$0x3FAB];
	_ =	sdelay $0x3  }
0x33: {  	p0 =	seq.s32 s10, $0x1;
	s10 =	sld [smem:$0x3FAD];
	_ =	sdelay $0x3  }
0x34: {  	[smem:$0x3FAD] =	sst s10  }
0x35: {  	s10 =	sld [smem:$0x3FAC];
	_ =	sdelay $0x3  }
0x36: {  	p1 =	seq.s32 s10, $0x1;
	s10 =	sld [smem:$0x3FAD];
	_ =	sdelay $0x3  }
0x37: {  	[smem:$0x3FAD] =	sst s10  }
0x38: {  	s10 =	sld [smem:$0x3FAE]  }
0x39: {  	_ = 	snop;
	(pc) =	sbr.ind lr, $3  }
0x3a: {  	_ = 	snop  }
0x3b: {  	_ = 	snop  }
0x3c: {  	p2 =	seq.s32 s10, $0x1;
	s10 =	sld [smem:$0x3FAD]  }
0x3d: {  	_ =	shalt  }
0x3e: {  	_ =	shalt  }
0x3f: {  	_ =	shalt  }
0x40: {  	_ =	shalt  }
0x41: {  	_ =	shalt  }
0x42: {  	_ =	shalt  }
0x43: {  	_ =	shalt  }
0x44: {  	_ =	shalt  }
0x45: {  	_ =	shalt  }
0x46: {  	_ =	shalt  }
0x47: {  	_ =	shalt  }
0x48: {  	_ =	shalt  }
0x49: {  	_ =	shalt  }
0x4a: {  	_ =	shalt  }
0x4b: {  	_ =	shalt  }
0x4c: {  	_ =	shalt  }
0x4d: {  	_ =	shalt  }
0x4e: {  	_ =	shalt  }
0x4f: {  	_ =	shalt  }
0x50: {  	_ =	shalt  }
0x51: {  	_ =	shalt  }
0x52: {  	_ =	shalt  }
0x53: {  	_ =	shalt  }
0x54: {  	_ =	shalt  }
0x55: {  	_ =	shalt  }
0x56: {  	_ =	shalt  }
0x57: {  	_ =	shalt  }
0x58: {  	_ =	shalt  }
0x59: {  	_ =	shalt  }
0x5a: {  	_ =	shalt  }
0x5b: {  	_ =	shalt  }
0x5c: {  	_ =	shalt  }
0x5d: {  	_ =	shalt  }
0x5e: {  	_ =	shalt  }
0x5f: {  	_ =	shalt  }
0x60: {  	_ =	shalt  }
0x61: {  	_ =	shalt  }
0x62: {  	_ =	shalt  }
0x63: {  	_ =	shalt  }
0x64: {  	_ =	shalt  }
0x65: {  	_ =	shalt  }
0x66: {  	_ =	shalt  }
0x67: {  	_ =	shalt  }
0x68: {  	_ =	shalt  }
0x69: {  	_ =	shalt  }
0x6a: {  	_ =	shalt  }
0x6b: {  	_ =	shalt  }
0x6c: {  	_ =	shalt  }
0x6d: {  	_ =	shalt  }
0x6e: {  	_ =	shalt  }
0x6f: {  	_ =	shalt  }
0x70: {  	_ =	shalt  }
0x71: {  	_ =	shalt  }
0x72: {  	_ =	shalt  }
0x73: {  	_ =	shalt  }
0x74: {  	_ =	shalt  }
0x75: {  	_ =	shalt  }
0x76: {  	_ =	shalt  }
0x77: {  	_ =	shalt  }
0x78: {  	_ =	shalt  }
0x79: {  	_ =	shalt  }
0x7a: {  	_ =	shalt  }
0x7b: {  	_ =	shalt  }
0x7c: {  	_ =	shalt  }
0x7d: {  	_ =	shalt  }
0x7e: {  	_ =	shalt  }
0x7f: {  	_ =	shalt  }
0x80: {  	_ =	shalt  }
0x81: {  	_ =	shalt  }
0x82: {  	_ =	shalt  }
0x83: {  	_ =	shalt  }
0x84: {  	_ =	shalt  }
0x85: {  	_ =	shalt  }
0x86: {  	_ =	shalt  }
0x87: {  	_ =	shalt  }
.Lfunc_end0:
.L_simem_size_0:
called_computation_lowered:
.L_overlay_start_0:
0x88: {  	s2 =	sld [smem:$0x3FD9]  }
0x89: {  	s3 =	sld [smem:$0x3FFE];
	_ =	sdelay $0x1  }
0x8a: {  	s1 =	srdreg.scid  }
0x8b: {  	s0 =	sand.u32 $0x1, s1  }
0x8c: {  	s17 =	sshll.u32 s0, $0xA;
	s2 =	sadd.s32 s3, s2  }
0x8d: {  	s2 =	sadd.s32 s2, s17  }
0x8e: {  	[smem:$0x3FB9] =	sst s2  }
0x8f: {  	_ = 	snop  }
0x90: {  	s2 =	sld [smem:$0x3FC9];
	(tm) =	ssettm $0x1  }
0x91: {  	s18 =	sld [smem:$0x3FFB];
	_ =	sdelay $0x3  }
0x92: {  	_ =	strace s18  }
0x93: {  	s3 =	sld [smem:$0x3FFC];
	_ =	sdelay $0x3  }
0x94: {  	_ =	strace s3  }
0x95: {  	s3 =	sld [smem:$0x3FFD];
	_ =	sdelay $0x3  }
0x96: {  	_ =	strace s3  }
0x97: {  	_ =	strace $0x8FFFFFFF  }
0x98: {  	s19 =	sld [smem:$0x3FDB];
	_ =	sdelay $0x1  }
0x99: {  	s4 =	simm.s32 $_scs_section_size  }
0x9a: {  	s5 =	simm.s32 $_size__tile_overlayer_lowered;
	s6 =	simm.s32 $_tile_overlayer_lowered  }
0x9b: {  	s22 =	simm.s32 $0x1BFF;
	s21 =	sshll.u32 s6, $0x1;
	s3 =	sadd.s32 s4, s19  }
0x9c: {  	s7 =	simm.s32 $0x0;
	s20 =	sshll.u32 s5, $0x1;
	s5 =	sadd.s32 s21, s3  }
0x9d: {  	[timem:s7], [sflag:s22] =	dma.local [hbm:s5], s20  }
0x9e: {  	_ =	swait.ge [sflag:s22], s20  }
0x9f: {  	s4 =	ssub.s32 $0x0, s20;
	[sflag:s22] =	ssyncset.done $0x0  }
0xa0: {  	[sflag:s22] =	ssyncadd.s32 s4;
	_ =	sdelay $0x1  }
0xa1: {  	s23 =	simm.s32 $0x1B8B  }
0xa2: {  	_ =	swait.ge [sflag:s23], $0x1  }
0xa3: {  	[sflag:s23] =	ssyncset.done $0x0  }
0xa4: {  	s25 =	simm.s32 $0x1B8E;
	s24 =	sld [smem:$0x3FFE];
	[sflag:s23] =	ssyncadd.s32 $0xFFFFFFFF  }
0xa5: {  	s26 =	simm.s32 $execute0_lowered;
	[smem:$0x3FD2] =	sst s25  }
0xa6: {  	s5 =	sshll.u32 s26, $0x1;
	_ =	strace $0x80000046;
	[dreg:$0x1] =	wrdreg $0xFFFFFFFF  }
0xa7: {  	s28 =	simm.s32 $_size_execute0_lowered;
	s3 =	sadd.s32 s3, s5;
	[dreg:$0x0] =	wrdreg $0x0  }
0xa8: {  	s5 =	sshll.u32 s28, $0x1;
	[dreg:$0x2] =	wrdreg s3  }
0xa9: {  	[dreg:$0x3] =	wrdreg s5  }
0xaa: {  	[dreg:$0x4] =	wrdreg $0xC0  }
0xab: {  	_ =	task [dreg:s7], $0x5FFFF  }
0xac: {  	[dreg:$0x1] =	wrdreg $0xFFFFFFFF  }
0xad: {  	[dreg:$0x0] =	wrdreg $0x60  }
0xae: {  	[dreg:$0x2] =	wrdreg s2  }
0xaf: {  	[dreg:$0x3] =	wrdreg s24  }
0xb0: {  	[dreg:$0x4] =	wrdreg $0xB7800  }
0xb1: {  	[dreg:$0x5] =	wrdreg $0x9  }
0xb2: {  	_ =	task.clear_ibuf [dreg:s7], $0x6FFFF;
	_ =	strace $0x90000046  }
0xb3: {  	s29 =	simm.s32 $0x9;
	_ =	strace $0x80000048  }
0xb4: {  	_ =	swait.ge [sflag:s29], $0x1  }
0xb5: {  	[sflag:s29] =	ssyncadd.s32 $0xFFFFFFFF  }
0xb6: {  	_ =	strace $0x90000048  }
0xb7: {  	_ =	sfence  }
0xb8: {  	s30 =	sld [smem:$0x0];
	_ =	sdelay $0x2  }
0xb9: {  	s31 =	sshll.u32 s1, $0xD;
	s1 =	sshrl.u32 s1, $0x2  }
0xba: {  	s3 =	sand.u32 $0x4000, s31;
	s1 =	sadd.s32 s1, s30  }
0xbb: {  	s0 =	sor.u32 s3, s0;
	s1 =	sshll.u32 s1, $0x11  }
0xbc: {  	s0 =	sor.u32 s1, s0  }
0xbd: {  	s0 =	sadd.s32 $0x8F2B, s0  }
0xbe: {  	[sflag:s0] =	ssyncadd.remote.s32 $0x1  }
0xbf: {  	_ =	sfence.sel $0xFFFF  }
0xc0: {  	[dreg:$0x0] =	wrdreg $0xFFFFFFFF;
	(pc) =	sbr.abs _section_cstart, $3  }
0xc1: {  	[dreg:$0x1] =	wrdreg $0xFFFFFFFF  }
0xc2: {  	_ =	task.clear_ibuf [dreg:s7], $0x2FFFF;
	_ =	strace $0x9FFFFFFF  }
0xc3: {  	(tm) =	ssettm $0x7FFFFFFF  }
tec
execute0_lowered:
.L_overlay_start_1:
0x0: {  	(tag) =	ssettag $0x1  }
0x1: {  	s1 =	srdreg.scid;
	s7 =	rddreg [dreg:$0x1]  }
0x2: {  	s0 =	stileid.u32;
	s3 =	rddreg [dreg:$0x2];
	s4 =	simm.s32 $0x0  }
0x3: {  	s14 =	simm.s32 $0x3;
	s15 =	simm.s32 $0x2780;
	s19 =	simm.s32 $0x50  }
0x4: {  	s20 =	simm.s32 $0x6780;
	s6 =	sand.u32 $0x1, s1;
	s2 =	sshll.u32 s0, $0x1  }
0x5: {  	s1 =	rddreg [dreg:$0x0];
	s21 =	sshrl.u32 s0, $0x2;
	s10 =	smul.u32 $0x4E000, s0  }
0x6: {  	[smem:$0x7FF] =	sst s4;
	s11 =	sadd.s32 $0x1D400, s7;
	s12 =	smul.u32 $0x13800, s0  }
0x7: {  	s18 =	sadd.s32 $0x138000, s3;
	p0 =	sne.s32 s0, $0xF;
	s16 =	sshll.u32 s0, $0x6  }
0x8: {  	s5 =	sor.u32 s6, s2;
	s8 =	smul.u32 $0x13C00, s21;
	s2 =	rddreg [dreg:$0x3]  }
0x9: {  	_ =	strace $0x80000047;
	s24 =	ssub.s32 $0x2, s6;
	s26 =	smul.u32 $0x138800, s6  }
0xa: {  	s16 =	sor.u32 $0x1C03, s16;
	s18 =	sshrl.u32 @!p0 s18, $0x3;
	s21 =	simm.s32 $0x8F80  }
0xb: {  	s22 =	sshll.u32 s5, $0x7;
	s5 =	sshll.u32 s5, $0xB;
	s25 =	sshrl.u32 s24, $0x1  }
0xc: {  	s28 =	sshrl.u32 s10, $0x2;
	s29 =	sshrl.u32 s12, $0x3;
	s9 =	sand.u32 $0x380, s22  }
0xd: {  	s23 =	sadd.s32 s5, s7;
	s13 =	ssub.s32 s24, s25;
	s17 =	sadd.s32 s28, s3  }
0xe: {  	s30 =	sadd.s32 s12, s26;
	s31 =	sshrl.u32 s26, $0x3;
	s12 =	simm.s32 $0x80  }
0xf: {  	s22 =	simm.s32 $0x1;
	s24 =	simm.s32 $0x6580;
	s25 =	simm.s32 $0x0  }
0x10: {  	s8 =	sor.u32 s8, s9;
	s6 =	sadd.s32 $0x3600, s23;
	s9 =	sshrl.u32 s30, $0x3  }
0x11: {  	s10 =	sadd.s32 s11, s31;
	s17 =	sshrl.u32 s17, $0x3;
	s23 =	simm.s32 $0x2  }
0x12: {  	s8 =	sshrl.u32 s8, $0x3;
	s9 =	sadd.s32 s11, s9;
	s10 =	sadd.s32 $0x27000, s10  }
0x13: {  	s11 =	smax.u32 s13, $0x1;
	s13 =	simm.s32 $0x400;
	s8 =	sadd.s32 s8, s7  }
0x14: {  	s7 =	sadd.s32 s1, s29;
	s5 =	sadd.s32 $0x13600, s8;
	s8 =	sadd.s32 $0x27000, s1  }
.LBB2_1:
0x15: {  	[tilespmem:s4], [sflag:$0x3] =	stream.strided.gather [hbm4b:s5+s12], $0x2780, s13, s12, $0x38;
	[tilespmem:$0x1F000] =	vst v63  }
0x16: {  	_ =	swait.ge [sflag:s14], $0x2780  }
0x17: {  	[sflag:s14] =	ssyncset.done $0x0  }
0x18: {  	[sflag:s14] =	ssyncadd.s32 $0xFFFFD880  }
0x19: {  	[tilespmem:s15], [sflag:$0x3] =	stream.linear.gather [hbm4b:s6+s4], $0x3E80, $0x38;
	[tilespmem:$0x1F000] =	vst v63  }
0x1a: {  	_ =	swait.ge [sflag:s14], $0x3E80  }
0x1b: {  	[sflag:s14] =	ssyncset.done $0x0  }
0x1c: {  	[sflag:s14] =	ssyncadd.s32 $0xFFFFC180  }
0x1d: {  	[spmem:s17], [sflag:s16] =	dma.local [hbm:s7], $0x2700  }
0x1e: {  	_ =	swait.ge [sflag:s14], $0x2700  }
0x1f: {  	[sflag:s14] =	ssyncset.done $0x0  }
0x20: {  	s26 =	simm.s32 @!p0 $0x3;
	[sflag:s14] =	ssyncadd.s32 $0xFFFFD900  }
0x21: {  	[spmem:s18], [sflag:s16] =	dma.local @!p0 [hbm:s8], $0x100  }
0x22: {  	_ =	swait.ge @!p0 [sflag:s26], $0x100  }
0x23: {  	[sflag:s26] =	ssyncset.done @!p0 $0x0  }
0x24: {  	[sflag:s26] =	ssyncadd.s32 @!p0 $0xFFFFFF00  }
0x25: {  	[bflag:$0x0] =	sbarrier.arrive $0xFFFF  }
0x26: {  	[tilespmem:s20], [sflag:$0x1] =	stream.indirect.gather [hbm4b:s1+s19], $0x80, s4, s19, $0xb8;
	[tilespmem:$0x1F000] =	vst v63  }
0x27: {  	s30 =	simm.s32 $0x50  }
0x28: {  	[tilespmem:s21], [sflag:$0x2] =	stream.indirect.gather [hbm4b:s1+s19], $0x80, s30, s19, $0xb8;
	[tilespmem:$0x1F000] =	vst v63  }
0x29: {  	_ =	swait.ge [sflag:s22], $0x2800  }
0x2a: {  	[sflag:s22] =	ssyncset.done $0x0  }
0x2b: {  	s31 =	simm.s32 $0x2780;
	[sflag:s22] =	ssyncadd.s32 $0xFFFFD800  }
0x2c: {  	[spmem:s3] =	stream.indirect.scatter.add.f32 [tilespmem:s20], [sflag:$0x3], $0x80, s31, s19, $0xb8;
	[tilespmem:$0x1F000] =	vst v63  }
0x2d: {  	_ =	swait.ge [sflag:s14], $0x2800  }
0x2e: {  	[sflag:s14] =	ssyncset.done $0x0  }
0x2f: {  	s30 =	simm.s32 $0xA0;
	[sflag:s14] =	ssyncadd.s32 $0xFFFFD800  }
0x30: {  	[tilespmem:s20], [sflag:$0x1] =	stream.indirect.gather [hbm4b:s1+s19], $0x80, s30, s19, $0xb8;
	[tilespmem:$0x1F000] =	vst v63  }
0x31: {  	_ =	swait.ge [sflag:s23], $0x2800  }
0x32: {  	[sflag:s23] =	ssyncset.done $0x0  }
0x33: {  	s31 =	simm.s32 $0x2800;
	[sflag:s23] =	ssyncadd.s32 $0xFFFFD800  }
0x34: {  	[spmem:s3] =	stream.indirect.scatter.add.f32 [tilespmem:s21], [sflag:$0x3], $0x80, s31, s19, $0xb8;
	[tilespmem:$0x1F000] =	vst v63  }
0x35: {  	s28 =	simm.s32 $0x400;
	_ =	swait.ge [sflag:s14], $0x2800  }
0x36: {  	s29 =	simm.s32 $0x800;
	s26 =	simm.s32 $0x140;
	[sflag:s14] =	ssyncset.done $0x0  }
.LBB2_2:
0x37: {  	p1 =	sne.s32 s29, $0xF400;
	s30 =	sadd.s32 $0xFFFFFFB0, s26;
	[sflag:s14] =	ssyncadd.s32 $0xFFFFD800  }
0x38: {  	[tilespmem:s21], [sflag:$0x2] =	stream.indirect.gather [hbm4b:s1+s19], $0x80, s30, s19, $0xb8;
	[tilespmem:$0x1F000] =	vst v63  }
0x39: {  	s30 =	smov.u32 s29;
	s29 =	sadd.s32 $0x400, s29;
	_ =	swait.ge [sflag:s22], $0x2800  }
0x3a: {  	s31 =	sshra.s32 s28, $0x2;
	s28 =	smov.u32 s30;
	[sflag:s22] =	ssyncset.done $0x0  }
0x3b: {  	s30 =	sadd.s32 $0x2780, s31;
	[sflag:s22] =	ssyncadd.s32 $0xFFFFD800  }
0x3c: {  	[spmem:s3] =	stream.indirect.scatter.add.f32 [tilespmem:s20], [sflag:$0x3], $0x80, s30, s19, $0xb8;
	[tilespmem:$0x1F000] =	vst v63  }
0x3d: {  	_ =	swait.ge [sflag:s14], $0x2800  }
0x3e: {  	[sflag:s14] =	ssyncset.done $0x0  }
0x3f: {  	[sflag:s14] =	ssyncadd.s32 $0xFFFFD800  }
0x40: {  	[tilespmem:s20], [sflag:$0x1] =	stream.indirect.gather [hbm4b:s1+s19], $0x80, s26, s19, $0xb8;
	[tilespmem:$0x1F000] =	vst v63  }
0x41: {  	_ =	swait.ge [sflag:s23], $0x2800  }
.Ltmp0:
0x42: {  	[sflag:s23] =	ssyncset.done $0x0;
	(pc) =	sbr.rel @p1 .LBB2_2-.Ltmp0, $4  }
0x43: {  	s30 =	sadd.s32 $0x2800, s31;
	[sflag:s23] =	ssyncadd.s32 $0xFFFFD800  }
0x44: {  	[spmem:s3] =	stream.indirect.scatter.add.f32 [tilespmem:s21], [sflag:$0x3], $0x80, s30, s19, $0xb8;
	[tilespmem:$0x1F000] =	vst v63  }
0x45: {  	_ =	swait.ge [sflag:s14], $0x2800  }
0x46: {  	s26 =	sadd.s32 $0xA0, s26;
	[sflag:s14] =	ssyncset.done $0x0  }
0x47: {  	s29 =	sadd.s32 $0xFFFFFFB0, s26;
	[sflag:s14] =	ssyncadd.s32 $0xFFFFD800  }
0x48: {  	[tilespmem:s21], [sflag:$0x2] =	stream.indirect.gather [hbm4b:s1+s19], $0x80, s29, s19, $0xb8;
	[tilespmem:$0x1F000] =	vst v63  }
0x49: {  	_ =	swait.ge [sflag:s22], $0x2800  }
0x4a: {  	s28 =	sshra.s32 s28, $0x2;
	[sflag:s22] =	ssyncset.done $0x0  }
0x4b: {  	s30 =	sadd.s32 $0x2780, s28;
	[sflag:s22] =	ssyncadd.s32 $0xFFFFD800  }
0x4c: {  	[spmem:s3] =	stream.indirect.scatter.add.f32 [tilespmem:s20], [sflag:$0x3], $0x80, s30, s19, $0xb8;
	[tilespmem:$0x1F000] =	vst v63  }
0x4d: {  	_ =	swait.ge [sflag:s14], $0x2800  }
0x4e: {  	[sflag:s14] =	ssyncset.done $0x0  }
0x4f: {  	[sflag:s14] =	ssyncadd.s32 $0xFFFFD800  }
0x50: {  	[tilespmem:s20], [sflag:$0x1] =	stream.indirect.gather [hbm4b:s1+s19], $0x80, s26, s19, $0xb8;
	[tilespmem:$0x1F000] =	vst v63  }
0x51: {  	_ =	swait.ge [sflag:s23], $0x2800  }
0x52: {  	[sflag:s23] =	ssyncset.done $0x0  }
0x53: {  	s31 =	sadd.s32 $0x2800, s28;
	[sflag:s23] =	ssyncadd.s32 $0xFFFFD800  }
0x54: {  	[spmem:s3] =	stream.indirect.scatter.add.f32 [tilespmem:s21], [sflag:$0x3], $0x80, s31, s19, $0xb8;
	[tilespmem:$0x1F000] =	vst v63  }
0x55: {  	_ =	swait.ge [sflag:s14], $0x2800  }
0x56: {  	[sflag:s14] =	ssyncset.done $0x0  }
0x57: {  	[sflag:s14] =	ssyncadd.s32 $0xFFFFD800  }
0x58: {  	_ =	swait.ge [sflag:s22], $0x2800  }
0x59: {  	[sflag:s22] =	ssyncset.done $0x0  }
0x5a: {  	[sflag:s22] =	ssyncadd.s32 $0xFFFFD800  }
0x5b: {  	[spmem:s3] =	stream.indirect.scatter.add.f32 [tilespmem:s20], [sflag:$0x3], $0x80, s24, s19, $0xb8;
	[tilespmem:$0x1F000] =	vst v63  }
0x5c: {  	_ =	swait.ge [sflag:s14], $0x2800  }
0x5d: {  	[sflag:s14] =	ssyncset.done $0x0  }
0x5e: {  	[sflag:s14] =	ssyncadd.s32 $0xFFFFD800  }
0x5f: {  	[bflag:$0x0] =	sbarrier.arrive $0xFFFF  }
0x60: {  	[hbm:s9], [sflag:s16] =	dma.local [spmem:s17], $0x2700  }
0x61: {  	s25 =	sadd.s32 $0x1, s25;
	_ =	swait.ge [sflag:s14], $0x2700  }
0x62: {  	p1 =	sne.s32 s25, s11;
	[sflag:s14] =	ssyncset.done $0x0  }
.Ltmp1:
0x63: {  	s26 =	simm.s32 @!p0 $0x3;
	[sflag:s14] =	ssyncadd.s32 $0xFFFFD900;
	(pc) =	sbr.rel @p1 .LBB2_1-.Ltmp1, $4  }
0x64: {  	[hbm:s10], [sflag:s16] =	dma.local @!p0 [spmem:s18], $0x100  }
0x65: {  	_ =	swait.ge @!p0 [sflag:s26], $0x100  }
0x66: {  	[sflag:s26] =	ssyncset.done @!p0 $0x0  }
0x67: {  	[sflag:s26] =	ssyncadd.s32 @!p0 $0xFFFFFF00  }
0x68: {  	_ =	sfence.sel $0x180000  }
0x69: {  	[bflag:$0x0] =	sbarrier.arrive $0xFFFF  }
0x6a: {  	p0 =	sne.s32 s0, $0x0;
	_ =	strace $0x90000047  }
0x6b: {  	s0 =	sadd.s32 @!p0 $0x100000, s2;
	[bflag:$0x2] =	sbarrier.arrive $0xFFFF  }
0x6c: {  	[sflag:s0] =	ssyncadd.tile.s32 @!p0 $0x1;
	_ =	shalt  }
.Lfunc_end2:
_tile_overlayer_lowered:
.L_overlay_start_2:
0x6d: {  	(tag) =	ssettag $0x2  }
0x6e: {  	s0 =	rddreg [dreg:$0x0];
	s2 =	stileid.u32  }
0x6f: {  	s1 =	rddreg [dreg:$0x1];
	p0 =	sne.s32 s2, $0x0  }
0x70: {  	s3 =	rddreg [dreg:$0x2];
	[bflag:$0x3] =	sbarrier.arrive $0xFFFF;
	s2 =	simm.s32 @!p0 $0x1C03  }
0x71: {  	[timem:s3], [sflag:s2] =	dma.local @!p0 [hbm:s0], s1  }
0x72: {  	s0 =	simm.s32 @!p0 $0x3  }
0x73: {  	_ =	swait.ge @!p0 [sflag:s0], s1  }
0x74: {  	s1 =	ssub.s32 @!p0 $0x0, s1;
	[sflag:s0] =	ssyncset.done @!p0 $0x0  }
0x75: {  	[sflag:s0] =	ssyncadd.s32 @!p0 s1  }
0x76: {  	[bflag:$0x3] =	sbarrier.arrive $0xFFFF  }
0x77: {  	_ =	shalt  }

</sc_bundles>
